<compile_context>
chip_gen: v7x
topology: tpu7x:2x2x1
jax: 0.10.2.dev20260603
libtpu: 0.0.44.dev20260713+nightly
codegen_flags: <defaults>
</compile_context>

<pallas_src>
import functools

import numpy as np
import jax
import jax.numpy as jnp
from jax import lax
from jax.experimental import pallas as pl
from jax.experimental.pallas import tpu as pltpu
from jax.experimental.pallas import tpu_sc as plsc

B, L, V = 4096, 20, 64
P = 0.1
NWORKERS = 32
ROWS = B * L
ROWS_PER_W = ROWS // NWORKERS
CHUNK = 128
CHUNKS_PER_W = ROWS_PER_W // CHUNK
FIRE = 4
OUTER = CHUNKS_PER_W // FIRE
FILL_CHUNKS = 3


def _threefry_uniform_mask():
    def rotl(x, d):
        return (x << np.uint32(d)) | (x >> np.uint32(32 - d))

    n = B * L
    i = np.arange(n, dtype=np.uint64)
    x0 = (i >> np.uint64(32)).astype(np.uint32)
    x1 = (i & np.uint64(0xFFFFFFFF)).astype(np.uint32)
    ks0, ks1 = np.uint32(0), np.uint32(42)
    ks2 = ks0 ^ ks1 ^ np.uint32(0x1BD11BDA)
    x0 = (x0 + ks0).astype(np.uint32)
    x1 = (x1 + ks1).astype(np.uint32)
    rots = ((13, 15, 26, 6), (17, 29, 16, 24))
    keys = [(ks1, ks2), (ks2, ks0), (ks0, ks1), (ks1, ks2), (ks2, ks0)]
    for r in range(5):
        for d in rots[r % 2]:
            x0 = (x0 + x1).astype(np.uint32)
            x1 = rotl(x1, d) ^ x0
        x0 = (x0 + keys[r][0]).astype(np.uint32)
        x1 = (x1 + keys[r][1] + np.uint32(r + 1)).astype(np.uint32)
    bits = x0 ^ x1
    flo = ((bits >> np.uint32(9)) | np.uint32(0x3F800000)).view(np.float32)
    flo = np.maximum(np.float32(0.0), flo - np.float32(1.0))
    return (flo < np.float32(P)).reshape(B, L)


def _precompute():
    mask = _threefry_uniform_mask()
    src = np.argsort(mask, axis=1, kind="stable")
    flat_src = (src + np.arange(B)[:, None] * L).reshape(-1).astype(np.int32)

    nkeep = (~mask).sum(axis=1)
    fill = (np.arange(L)[None, :] >= nkeep[:, None]).reshape(-1)

    gsrc = np.zeros((NWORKERS, CHUNKS_PER_W, CHUNK), np.int32)
    gdst = np.zeros((NWORKERS, CHUNKS_PER_W, CHUNK), np.int32)
    fill_idx = np.zeros((NWORKERS, FILL_CHUNKS, CHUNK), np.int32)
    for t in range(NWORKERS):
        lo, hi = t * ROWS_PER_W, (t + 1) * ROWS_PER_W
        rows = np.arange(lo, hi)
        kept_rows = rows[~fill[lo:hi]].astype(np.int32)
        assert 1 <= kept_rows.size <= ROWS_PER_W
        kd = np.full(ROWS_PER_W, kept_rows[0], np.int32)
        ks = np.full(ROWS_PER_W, flat_src[kept_rows[0]], np.int32)
        kd[:kept_rows.size] = kept_rows
        ks[:kept_rows.size] = flat_src[kept_rows]
        gdst[t] = kd.reshape(CHUNKS_PER_W, CHUNK)
        gsrc[t] = ks.reshape(CHUNKS_PER_W, CHUNK)

        mine = rows[fill[lo:hi]].astype(np.int32)
        assert 1 <= mine.size <= FILL_CHUNKS * CHUNK
        padded = np.full(FILL_CHUNKS * CHUNK, mine[0], np.int32)
        padded[:mine.size] = mine
        fill_idx[t] = padded.reshape(FILL_CHUNKS, CHUNK)
    return gsrc, gdst, fill_idx


_GSRC_IDX, _GDST_IDX, _FILL_IDX = _precompute()

_sc_mesh = plsc.VectorSubcoreMesh(core_axis_name="c", subcore_axis_name="s")


@functools.partial(
    pl.kernel,
    mesh=_sc_mesh,
    out_type=jax.ShapeDtypeStruct((ROWS, V), jnp.float32),
    compiler_params=pltpu.CompilerParams(use_tc_tiling_on_sc=False),
    scratch_types=[
        pltpu.VMEM((CHUNKS_PER_W, CHUNK), jnp.int32),
        pltpu.VMEM((CHUNKS_PER_W, CHUNK), jnp.int32),
        pltpu.VMEM((FILL_CHUNKS, CHUNK), jnp.int32),
        pltpu.VMEM((FIRE * CHUNK, V), jnp.float32),
        pltpu.VMEM((FIRE * CHUNK, V), jnp.float32),
        pltpu.VMEM((CHUNK, V), jnp.float32),
        pltpu.SemaphoreType.DMA,
        pltpu.SemaphoreType.DMA,
        pltpu.SemaphoreType.DMA,
        pltpu.SemaphoreType.DMA,
    ],
)
def _sc_deletion(msg_hbm, src_hbm, dst_hbm, fill_hbm, out_hbm,
                 src_v, dst_v, fill_v, gbuf_a, gbuf_b, e0,
                 gsem, ssem_a, ssem_b, fsem):
    wid = lax.axis_index("s") * 2 + lax.axis_index("c")
    pltpu.sync_copy(src_hbm.at[wid], src_v)
    pltpu.sync_copy(dst_hbm.at[wid], dst_v)
    pltpu.sync_copy(fill_hbm.at[wid], fill_v)

    onehot16 = jnp.where(jnp.arange(16, dtype=jnp.int32) == 0,
                         jnp.float32(1.0), jnp.float32(0.0))
    zeros16 = jnp.zeros((16,), jnp.float32)

    def _mk_onehot(i, carry):
        e0[i, pl.ds(0, 16)] = onehot16
        e0[i, pl.ds(16, 16)] = zeros16
        e0[i, pl.ds(32, 16)] = zeros16
        e0[i, pl.ds(48, 16)] = zeros16
        return carry

    lax.fori_loop(0, CHUNK, _mk_onehot, 0)

    fdescs = [pltpu.async_copy(e0, out_hbm.at[fill_v.at[c]], fsem)
              for c in range(FILL_CHUNKS)]

    bufs = (gbuf_a, gbuf_b)
    ssems = (ssem_a, ssem_b)
    pending = [[], []]
    for i in range(OUTER):
        buf = bufs[i % 2]
        for d in pending[i % 2]:
            d.wait()
        gdescs = [pltpu.async_copy(
            msg_hbm.at[src_v.at[i * FIRE + j]],
            buf.at[pl.ds(j * CHUNK, CHUNK)], gsem) for j in range(FIRE)]
        for d in gdescs:
            d.wait()
        pending[i % 2] = [pltpu.async_copy(
            buf.at[pl.ds(j * CHUNK, CHUNK)],
            out_hbm.at[dst_v.at[i * FIRE + j]], ssems[i % 2])
            for j in range(FIRE)]
    for d in pending[0] + pending[1] + fdescs:
        d.wait()


def _probs_body(m_ref, p_ref, np_ref, cm_ref, cp_ref):
    x = p_ref[...]
    col = lax.broadcasted_iota(jnp.int32, x.shape, 2)
    tail = jnp.where(col == 0, jnp.float32(0.0), x * jnp.float32(1.0 - P))
    head = jnp.float32(1.0) - jnp.sum(tail, axis=-1, keepdims=True)
    np_ref[...] = jnp.where(col == 0, head, tail)
    cm_ref[...] = m_ref[...]
    cp_ref[...] = x


_TC_BB = 256

_probs_tc = pl.pallas_call(
    _probs_body,
    grid=(B // _TC_BB,),
    in_specs=[pl.BlockSpec((_TC_BB, L, V), lambda i: (i, 0, 0)),
              pl.BlockSpec((_TC_BB, L, V), lambda i: (i, 0, 0))],
    out_specs=[pl.BlockSpec((_TC_BB, L, V), lambda i: (i, 0, 0))] * 3,
    out_shape=[jax.ShapeDtypeStruct((B, L, V), jnp.float32)] * 3,
)


def kernel(messages, probs):
    tail = probs[..., 1:] * jnp.float32(1.0 - P)
    head = jnp.float32(1.0) - tail.sum(axis=-1, keepdims=True)
    noisy_p = jnp.concatenate([head, tail], axis=-1)
    msg_flat = messages.reshape(ROWS, V)
    noisy_m_flat = _sc_deletion(msg_flat, _GSRC_IDX, _GDST_IDX, _FILL_IDX)
    noisy_m = noisy_m_flat.reshape(B, L, V)
    return (noisy_m, noisy_p, messages, probs)

# --- scband reference (transcript-rebuilt; emitter-appended) ---
"""Pipeline reference for scband-deletion-channel-22445499089174 (READ-ONLY COPY).

The authoritative reference and input builder live on the scoring server;
editing this copy changes nothing except your own understanding.
"""

import jax, jax.numpy as jnp
import numpy as np

P = 0.1
B, L, V = 4096, 20, 64


def setup_inputs(seed: int = 0) -> dict:
    key = jax.random.key(seed)
    k1, k2 = jax.random.split(key)
    messages = jax.random.uniform(k1, (B, L, V), dtype=jnp.float32)
    probs = jax.random.uniform(k2, (B, L, V), dtype=jnp.float32)
    return {"messages": messages, "probs": probs}


def _shift(tensor, target_mask):
    # Shifts symbols to be deleted to the end of the message.
    # Faithful translation of the torch loop:
    #   for i in 1..L-1: idx = -i-1; tensor[targets, idx:] = roll(tensor[targets, idx:], -1, dim=1)
    Lm = tensor.shape[1]
    for i in range(1, Lm):
        idx = Lm - 1 - i  # same as -i-1
        targets = target_mask[:, idx]  # bool [B]
        tail = tensor[:, idx:]
        rolled = jnp.roll(tail, shift=-1, axis=1)
        new_tail = jnp.where(targets[:, None, None], rolled, tail)
        tensor = tensor.at[:, idx:].set(new_tail)
    return tensor


def _process(messages, probs, apply_noise, target_mask, p):
    # DeletionChannel.gs, training branch
    if not apply_noise:
        return messages, probs
    messages = _shift(messages, target_mask)
    n_deleted = target_mask.astype(jnp.int32).sum(axis=1, keepdims=True)  # [B,1]
    Lm = messages.shape[1]
    end_mask = jnp.arange(Lm - 1, -1, -1)[None, :] < n_deleted  # last n_deleted positions True
    onehot0 = jnp.zeros((messages.shape[-1],), messages.dtype).at[0].set(1.0)
    messages = jnp.where(end_mask[..., None], onehot0, messages)
    new_tail = probs[..., 1:] * (1.0 - p)
    new_head = 1.0 - new_tail.sum(axis=-1)
    probs = jnp.concatenate([new_head[..., None], new_tail], axis=-1)
    return messages, probs


def reference(messages, probs):
    p = jnp.float32(P)
    # self.sample_targets(size[:-1]) with seeded generator
    tkey = jax.random.key(42)
    target_mask = jax.random.uniform(tkey, messages.shape[:-1]) < p
    noisy_m, noisy_p = _process(messages, probs, True, target_mask, p)
    clean_m, clean_p = _process(messages, probs, False, target_mask, p)
    return (noisy_m, noisy_p, clean_m, clean_p)

if __name__ == "__main__":
    import jax
    _d = setup_inputs()
    print(jax.jit(kernel)(*tuple(_d.values())))

</pallas_src>

<mosaic_0001>
#map = affine_map<(d0, d1) -> (0, 0)>
#map1 = affine_map<(d0, d1) -> (0, 0, 0)>
module attributes {stable_mosaic.version = 14 : i64} {
  func.func @_sc_deletion(%arg0: i32, %arg1: i32, %arg2: memref<81920x64xf32, #tpu.memory_space<hbm>>, %arg3: memref<32x20x128xi32, #tpu.memory_space<hbm>>, %arg4: memref<32x20x128xi32, #tpu.memory_space<hbm>>, %arg5: memref<32x3x128xi32, #tpu.memory_space<hbm>>, %arg6: memref<81920x64xf32, #tpu.memory_space<hbm>>, %arg7: memref<20x128xi32, #tpu.memory_space<vmem>>, %arg8: memref<20x128xi32, #tpu.memory_space<vmem>>, %arg9: memref<3x128xi32, #tpu.memory_space<vmem>>, %arg10: memref<512x64xf32, #tpu.memory_space<vmem>>, %arg11: memref<512x64xf32, #tpu.memory_space<vmem>>, %arg12: memref<128x64xf32, #tpu.memory_space<vmem>>, %arg13: memref<!tpu.dma_semaphore, #tpu.memory_space<semaphore_mem>>, %arg14: memref<!tpu.dma_semaphore, #tpu.memory_space<semaphore_mem>>, %arg15: memref<!tpu.dma_semaphore, #tpu.memory_space<semaphore_mem>>, %arg16: memref<!tpu.dma_semaphore, #tpu.memory_space<semaphore_mem>>) attributes {dimension_semantics = [#tpu.dimension_semantics<core_parallel>, #tpu.dimension_semantics<subcore_parallel>], iteration_bounds = array<i64: 2, 16>, scalar_prefetch = 0 : i64, scratch_operands = 10 : i64, tpu.core_type = #tpu.core_type<sc_vector_subcore>, window_params = [{transform_indices = #map}, {transform_indices = #map1}, {transform_indices = #map1}, {transform_indices = #map1}, {transform_indices = #map}]} {
    %mul3A = arith.constant 2 : i32
    %mul3A_0 = arith.muli %arg1, %mul3A : i32
    %add3A = arith.addi %mul3A_0, %arg0 : i32
    "tpu.region"() ({
      %run_scoped3A = tpu.sem_alloc : memref<!tpu.dma_semaphore, #tpu.memory_space<semaphore_mem>>
      %dma_start3A_852 = arith.constant 0 : i32
      %dma_start3A_853 = arith.constant 0 : i32
      %dma_start3A_854 = tpu.memref_slice %arg3[%add3A, %dma_start3A_852, %dma_start3A_853] : memref<32x20x128xi32, #tpu.memory_space<hbm>> -> memref<1x20x128xi32, #tpu.memory_space<hbm>>
      %dma_start3A_855 = tpu.memref_squeeze %dma_start3A_854 : memref<1x20x128xi32, #tpu.memory_space<hbm>> -> memref<20x128xi32, #tpu.memory_space<hbm>>
      %dma_start3A_856 = arith.constant 0 : i32
      %dma_start3A_857 = arith.constant 0 : i32
      %dma_start3A_858 = tpu.memref_slice %arg3[%add3A, %dma_start3A_856, %dma_start3A_857] : memref<32x20x128xi32, #tpu.memory_space<hbm>> -> memref<1x20x128xi32, #tpu.memory_space<hbm>>
      %dma_start3A_859 = tpu.memref_squeeze %dma_start3A_858 : memref<1x20x128xi32, #tpu.memory_space<hbm>> -> memref<20x128xi32, #tpu.memory_space<hbm>>
      tpu.enqueue_dma source(%dma_start3A_859 : memref<20x128xi32, #tpu.memory_space<hbm>>) target(%arg7 : memref<20x128xi32, #tpu.memory_space<vmem>>) target_semaphore(%run_scoped3A : memref<!tpu.dma_semaphore, #tpu.memory_space<semaphore_mem>>)
      %dma_wait3A_860 = arith.constant 0 : i32
      %dma_wait3A_861 = arith.constant 0 : i32
      %dma_wait3A_862 = tpu.memref_slice %arg3[%add3A, %dma_wait3A_860, %dma_wait3A_861] : memref<32x20x128xi32, #tpu.memory_space<hbm>> -> memref<1x20x128xi32, #tpu.memory_space<hbm>>
      %dma_wait3A_863 = tpu.memref_squeeze %dma_wait3A_862 : memref<1x20x128xi32, #tpu.memory_space<hbm>> -> memref<20x128xi32, #tpu.memory_space<hbm>>
      %dma_wait3A_864 = arith.constant 0 : i32
      %dma_wait3A_865 = arith.constant 0 : i32
      %dma_wait3A_866 = tpu.memref_slice %arg3[%add3A, %dma_wait3A_864, %dma_wait3A_865] : memref<32x20x128xi32, #tpu.memory_space<hbm>> -> memref<1x20x128xi32, #tpu.memory_space<hbm>>
      %dma_wait3A_867 = tpu.memref_squeeze %dma_wait3A_866 : memref<1x20x128xi32, #tpu.memory_space<hbm>> -> memref<20x128xi32, #tpu.memory_space<hbm>>
      tpu.wait_dma2 semaphore(%run_scoped3A : memref<!tpu.dma_semaphore, #tpu.memory_space<semaphore_mem>>) src(%dma_wait3A_867 : memref<20x128xi32, #tpu.memory_space<hbm>>) dst(%arg7 : memref<20x128xi32, #tpu.memory_space<vmem>>)
      tpu.yield
    }) : () -> ()
    "tpu.region"() ({
      %run_scoped3A = tpu.sem_alloc : memref<!tpu.dma_semaphore, #tpu.memory_space<semaphore_mem>>
      %dma_start3A_852 = arith.constant 0 : i32
      %dma_start3A_853 = arith.constant 0 : i32
      %dma_start3A_854 = tpu.memref_slice %arg4[%add3A, %dma_start3A_852, %dma_start3A_853] : memref<32x20x128xi32, #tpu.memory_space<hbm>> -> memref<1x20x128xi32, #tpu.memory_space<hbm>>
      %dma_start3A_855 = tpu.memref_squeeze %dma_start3A_854 : memref<1x20x128xi32, #tpu.memory_space<hbm>> -> memref<20x128xi32, #tpu.memory_space<hbm>>
      %dma_start3A_856 = arith.constant 0 : i32
      %dma_start3A_857 = arith.constant 0 : i32
      %dma_start3A_858 = tpu.memref_slice %arg4[%add3A, %dma_start3A_856, %dma_start3A_857] : memref<32x20x128xi32, #tpu.memory_space<hbm>> -> memref<1x20x128xi32, #tpu.memory_space<hbm>>
      %dma_start3A_859 = tpu.memref_squeeze %dma_start3A_858 : memref<1x20x128xi32, #tpu.memory_space<hbm>> -> memref<20x128xi32, #tpu.memory_space<hbm>>
      tpu.enqueue_dma source(%dma_start3A_859 : memref<20x128xi32, #tpu.memory_space<hbm>>) target(%arg8 : memref<20x128xi32, #tpu.memory_space<vmem>>) target_semaphore(%run_scoped3A : memref<!tpu.dma_semaphore, #tpu.memory_space<semaphore_mem>>)
      %dma_wait3A_860 = arith.constant 0 : i32
      %dma_wait3A_861 = arith.constant 0 : i32
      %dma_wait3A_862 = tpu.memref_slice %arg4[%add3A, %dma_wait3A_860, %dma_wait3A_861] : memref<32x20x128xi32, #tpu.memory_space<hbm>> -> memref<1x20x128xi32, #tpu.memory_space<hbm>>
      %dma_wait3A_863 = tpu.memref_squeeze %dma_wait3A_862 : memref<1x20x128xi32, #tpu.memory_space<hbm>> -> memref<20x128xi32, #tpu.memory_space<hbm>>
      %dma_wait3A_864 = arith.constant 0 : i32
      %dma_wait3A_865 = arith.constant 0 : i32
      %dma_wait3A_866 = tpu.memref_slice %arg4[%add3A, %dma_wait3A_864, %dma_wait3A_865] : memref<32x20x128xi32, #tpu.memory_space<hbm>> -> memref<1x20x128xi32, #tpu.memory_space<hbm>>
      %dma_wait3A_867 = tpu.memref_squeeze %dma_wait3A_866 : memref<1x20x128xi32, #tpu.memory_space<hbm>> -> memref<20x128xi32, #tpu.memory_space<hbm>>
      tpu.wait_dma2 semaphore(%run_scoped3A : memref<!tpu.dma_semaphore, #tpu.memory_space<semaphore_mem>>) src(%dma_wait3A_867 : memref<20x128xi32, #tpu.memory_space<hbm>>) dst(%arg8 : memref<20x128xi32, #tpu.memory_space<vmem>>)
      tpu.yield
    }) : () -> ()
    "tpu.region"() ({
      %run_scoped3A = tpu.sem_alloc : memref<!tpu.dma_semaphore, #tpu.memory_space<semaphore_mem>>
      %dma_start3A_852 = arith.constant 0 : i32
      %dma_start3A_853 = arith.constant 0 : i32
      %dma_start3A_854 = tpu.memref_slice %arg5[%add3A, %dma_start3A_852, %dma_start3A_853] : memref<32x3x128xi32, #tpu.memory_space<hbm>> -> memref<1x3x128xi32, #tpu.memory_space<hbm>>
      %dma_start3A_855 = tpu.memref_squeeze %dma_start3A_854 : memref<1x3x128xi32, #tpu.memory_space<hbm>> -> memref<3x128xi32, #tpu.memory_space<hbm>>
      %dma_start3A_856 = arith.constant 0 : i32
      %dma_start3A_857 = arith.constant 0 : i32
      %dma_start3A_858 = tpu.memref_slice %arg5[%add3A, %dma_start3A_856, %dma_start3A_857] : memref<32x3x128xi32, #tpu.memory_space<hbm>> -> memref<1x3x128xi32, #tpu.memory_space<hbm>>
      %dma_start3A_859 = tpu.memref_squeeze %dma_start3A_858 : memref<1x3x128xi32, #tpu.memory_space<hbm>> -> memref<3x128xi32, #tpu.memory_space<hbm>>
      tpu.enqueue_dma source(%dma_start3A_859 : memref<3x128xi32, #tpu.memory_space<hbm>>) target(%arg9 : memref<3x128xi32, #tpu.memory_space<vmem>>) target_semaphore(%run_scoped3A : memref<!tpu.dma_semaphore, #tpu.memory_space<semaphore_mem>>)
      %dma_wait3A_860 = arith.constant 0 : i32
      %dma_wait3A_861 = arith.constant 0 : i32
      %dma_wait3A_862 = tpu.memref_slice %arg5[%add3A, %dma_wait3A_860, %dma_wait3A_861] : memref<32x3x128xi32, #tpu.memory_space<hbm>> -> memref<1x3x128xi32, #tpu.memory_space<hbm>>
      %dma_wait3A_863 = tpu.memref_squeeze %dma_wait3A_862 : memref<1x3x128xi32, #tpu.memory_space<hbm>> -> memref<3x128xi32, #tpu.memory_space<hbm>>
      %dma_wait3A_864 = arith.constant 0 : i32
      %dma_wait3A_865 = arith.constant 0 : i32
      %dma_wait3A_866 = tpu.memref_slice %arg5[%add3A, %dma_wait3A_864, %dma_wait3A_865] : memref<32x3x128xi32, #tpu.memory_space<hbm>> -> memref<1x3x128xi32, #tpu.memory_space<hbm>>
      %dma_wait3A_867 = tpu.memref_squeeze %dma_wait3A_866 : memref<1x3x128xi32, #tpu.memory_space<hbm>> -> memref<3x128xi32, #tpu.memory_space<hbm>>
      tpu.wait_dma2 semaphore(%run_scoped3A : memref<!tpu.dma_semaphore, #tpu.memory_space<semaphore_mem>>) src(%dma_wait3A_867 : memref<3x128xi32, #tpu.memory_space<hbm>>) dst(%arg9 : memref<3x128xi32, #tpu.memory_space<vmem>>)
      tpu.yield
    }) : () -> ()
    %iota3A = tpu.iota {dimensions = array<i32: 0>} : vector<16xi32>
    %eq3A = arith.constant 0 : i32
    %eq3A_1 = vector.broadcast %eq3A : i32 to vector<16xi32>
    %eq3A_2 = arith.cmpi eq, %iota3A, %eq3A_1 : vector<16xi32>
    %jit3A = arith.constant 1.000000e+00 : f32
    %jit3A_3 = arith.constant 0.000000e+00 : f32
    %broadcast_in_dim3A = vector.broadcast %jit3A : f32 to vector<16xf32>
    %broadcast_in_dim3A_4 = vector.broadcast %jit3A_3 : f32 to vector<16xf32>
    %select_n3A = arith.select %eq3A_2, %broadcast_in_dim3A, %broadcast_in_dim3A_4 : vector<16xi1>, vector<16xf32>
    %broadcast_in_dim3A_5 = arith.constant 0.000000e+00 : f32
    %broadcast_in_dim3A_6 = vector.broadcast %broadcast_in_dim3A_5 : f32 to vector<16xf32>
    %scan3A = arith.constant 0 : i32
    %scan3A_7 = arith.constant 0 : i32
    %scan3A_8 = arith.constant 128 : i32
    %scan3A_9 = arith.addi %scan3A_7, %scan3A_8 : i32
    %scan3A_10 = arith.constant 1 : i32
    scf.for %scan3A_852 = %scan3A_7 to %scan3A_9 step %scan3A_10  : i32 {
      %swap3A = arith.index_cast %scan3A_852 : i32 to index
      %swap3A_853 = arith.constant 0 : index
      %swap3A_854 = tpu.vector_load %arg12[%swap3A, %swap3A_853] {strides = array<i32>} : memref<128x64xf32, #tpu.memory_space<vmem>>, vector<1x16xf32>,
      %swap3A_855 = vector.shape_cast %swap3A_854 : vector<1x16xf32> to vector<16xf32>
      %swap3A_856 = vector.shape_cast %select_n3A : vector<16xf32> to vector<1x16xf32>
      tpu.vector_store %arg12[%swap3A, %swap3A_853], %swap3A_856 {strides = array<i32>} : memref<128x64xf32, #tpu.memory_space<vmem>>, vector<1x16xf32>,
      %swap3A_857 = arith.index_cast %scan3A_852 : i32 to index
      %swap3A_858 = arith.constant 16 : index
      %swap3A_859 = tpu.vector_load %arg12[%swap3A_857, %swap3A_858] {strides = array<i32>} : memref<128x64xf32, #tpu.memory_space<vmem>>, vector<1x16xf32>,
      %swap3A_860 = vector.shape_cast %swap3A_859 : vector<1x16xf32> to vector<16xf32>
      %swap3A_861 = vector.shape_cast %broadcast_in_dim3A_6 : vector<16xf32> to vector<1x16xf32>
      tpu.vector_store %arg12[%swap3A_857, %swap3A_858], %swap3A_861 {strides = array<i32>} : memref<128x64xf32, #tpu.memory_space<vmem>>, vector<1x16xf32>,
      %swap3A_862 = arith.index_cast %scan3A_852 : i32 to index
      %swap3A_863 = arith.constant 32 : index
      %swap3A_864 = tpu.vector_load %arg12[%swap3A_862, %swap3A_863] {strides = array<i32>} : memref<128x64xf32, #tpu.memory_space<vmem>>, vector<1x16xf32>,
      %swap3A_865 = vector.shape_cast %swap3A_864 : vector<1x16xf32> to vector<16xf32>
      %swap3A_866 = vector.shape_cast %broadcast_in_dim3A_6 : vector<16xf32> to vector<1x16xf32>
      tpu.vector_store %arg12[%swap3A_862, %swap3A_863], %swap3A_866 {strides = array<i32>} : memref<128x64xf32, #tpu.memory_space<vmem>>, vector<1x16xf32>,
      %swap3A_867 = arith.index_cast %scan3A_852 : i32 to index
      %swap3A_868 = arith.constant 48 : index
      %swap3A_869 = tpu.vector_load %arg12[%swap3A_867, %swap3A_868] {strides = array<i32>} : memref<128x64xf32, #tpu.memory_space<vmem>>, vector<1x16xf32>,
      %swap3A_870 = vector.shape_cast %swap3A_869 : vector<1x16xf32> to vector<16xf32>
      %swap3A_871 = vector.shape_cast %broadcast_in_dim3A_6 : vector<16xf32> to vector<1x16xf32>
      tpu.vector_store %arg12[%swap3A_867, %swap3A_868], %swap3A_871 {strides = array<i32>} : memref<128x64xf32, #tpu.memory_space<vmem>>, vector<1x16xf32>,
    }
    %scan3A_11 = arith.constant 128 : i32
    %dma_start3A = arith.constant 0 : i32
    %dma_start3A_12 = arith.constant 0 : i32
    %dma_start3A_13 = tpu.memref_slice %arg9[%dma_start3A, %dma_start3A_12] : memref<3x128xi32, #tpu.memory_space<vmem>> -> memref<1x128xi32, #tpu.memory_space<vmem>>
    %dma_start3A_14 = tpu.memref_squeeze %dma_start3A_13 : memref<1x128xi32, #tpu.memory_space<vmem>> -> memref<128xi32, #tpu.memory_space<vmem>>
    %dma_start3A_15 = arith.constant 0 : i32
    %dma_start3A_16 = arith.constant 0 : i32
    %dma_start3A_17 = tpu.memref_slice %arg6[%dma_start3A_15, %dma_start3A_16] : memref<81920x64xf32, #tpu.memory_space<hbm>> -> memref<81920x64xf32, #tpu.memory_space<hbm>>
    tpu.enqueue_indirect_dma source(%arg12 : memref<128x64xf32, #tpu.memory_space<vmem>>) target(%dma_start3A_17 : memref<81920x64xf32, #tpu.memory_space<hbm>>) offsets(%dma_start3A_14 : memref<128xi32, #tpu.memory_space<vmem>>) semaphore(%arg16 : memref<!tpu.dma_semaphore, #tpu.memory_space<semaphore_mem>>)
    %dma_start3A_18 = arith.constant 1 : i32
    %dma_start3A_19 = arith.constant 0 : i32
    %dma_start3A_20 = tpu.memref_slice %arg9[%dma_start3A_18, %dma_start3A_19] : memref<3x128xi32, #tpu.memory_space<vmem>> -> memref<1x128xi32, #tpu.memory_space<vmem>>
    %dma_start3A_21 = tpu.memref_squeeze %dma_start3A_20 : memref<1x128xi32, #tpu.memory_space<vmem>> -> memref<128xi32, #tpu.memory_space<vmem>>
    %dma_start3A_22 = arith.constant 0 : i32
    %dma_start3A_23 = arith.constant 0 : i32
    %dma_start3A_24 = tpu.memref_slice %arg6[%dma_start3A_22, %dma_start3A_23] : memref<81920x64xf32, #tpu.memory_space<hbm>> -> memref<81920x64xf32, #tpu.memory_space<hbm>>
    tpu.enqueue_indirect_dma source(%arg12 : memref<128x64xf32, #tpu.memory_space<vmem>>) target(%dma_start3A_24 : memref<81920x64xf32, #tpu.memory_space<hbm>>) offsets(%dma_start3A_21 : memref<128xi32, #tpu.memory_space<vmem>>) semaphore(%arg16 : memref<!tpu.dma_semaphore, #tpu.memory_space<semaphore_mem>>)
    %dma_start3A_25 = arith.constant 2 : i32
    %dma_start3A_26 = arith.constant 0 : i32
    %dma_start3A_27 = tpu.memref_slice %arg9[%dma_start3A_25, %dma_start3A_26] : memref<3x128xi32, #tpu.memory_space<vmem>> -> memref<1x128xi32, #tpu.memory_space<vmem>>
    %dma_start3A_28 = tpu.memref_squeeze %dma_start3A_27 : memref<1x128xi32, #tpu.memory_space<vmem>> -> memref<128xi32, #tpu.memory_space<vmem>>
    %dma_start3A_29 = arith.constant 0 : i32
    %dma_start3A_30 = arith.constant 0 : i32
    %dma_start3A_31 = tpu.memref_slice %arg6[%dma_start3A_29, %dma_start3A_30] : memref<81920x64xf32, #tpu.memory_space<hbm>> -> memref<81920x64xf32, #tpu.memory_space<hbm>>
    tpu.enqueue_indirect_dma source(%arg12 : memref<128x64xf32, #tpu.memory_space<vmem>>) target(%dma_start3A_31 : memref<81920x64xf32, #tpu.memory_space<hbm>>) offsets(%dma_start3A_28 : memref<128xi32, #tpu.memory_space<vmem>>) semaphore(%arg16 : memref<!tpu.dma_semaphore, #tpu.memory_space<semaphore_mem>>)
    %dma_start3A_32 = arith.constant 0 : i32
    %dma_start3A_33 = arith.constant 0 : i32
    %dma_start3A_34 = arith.constant 0 : i32
    %dma_start3A_35 = tpu.memref_slice %arg10[%dma_start3A_33, %dma_start3A_34] : memref<512x64xf32, #tpu.memory_space<vmem>> -> memref<128x64xf32, #tpu.memory_space<vmem>>
    %dma_start3A_36 = arith.constant 0 : i32
    %dma_start3A_37 = tpu.memref_slice %arg7[%dma_start3A_32, %dma_start3A_36] : memref<20x128xi32, #tpu.memory_space<vmem>> -> memref<1x128xi32, #tpu.memory_space<vmem>>
    %dma_start3A_38 = tpu.memref_squeeze %dma_start3A_37 : memref<1x128xi32, #tpu.memory_space<vmem>> -> memref<128xi32, #tpu.memory_space<vmem>>
    %dma_start3A_39 = arith.constant 0 : i32
    %dma_start3A_40 = arith.constant 0 : i32
    %dma_start3A_41 = tpu.memref_slice %arg2[%dma_start3A_39, %dma_start3A_40] : memref<81920x64xf32, #tpu.memory_space<hbm>> -> memref<81920x64xf32, #tpu.memory_space<hbm>>
    tpu.enqueue_indirect_dma source(%dma_start3A_41 : memref<81920x64xf32, #tpu.memory_space<hbm>>) target(%dma_start3A_35 : memref<128x64xf32, #tpu.memory_space<vmem>>) offsets(%dma_start3A_38 : memref<128xi32, #tpu.memory_space<vmem>>) semaphore(%arg13 : memref<!tpu.dma_semaphore, #tpu.memory_space<semaphore_mem>>)
    %dma_start3A_42 = arith.constant 1 : i32
    %dma_start3A_43 = arith.constant 128 : i32
    %dma_start3A_44 = arith.constant 0 : i32
    %dma_start3A_45 = tpu.memref_slice %arg10[%dma_start3A_43, %dma_start3A_44] : memref<512x64xf32, #tpu.memory_space<vmem>> -> memref<128x64xf32, #tpu.memory_space<vmem>>
    %dma_start3A_46 = arith.constant 0 : i32
    %dma_start3A_47 = tpu.memref_slice %arg7[%dma_start3A_42, %dma_start3A_46] : memref<20x128xi32, #tpu.memory_space<vmem>> -> memref<1x128xi32, #tpu.memory_space<vmem>>
    %dma_start3A_48 = tpu.memref_squeeze %dma_start3A_47 : memref<1x128xi32, #tpu.memory_space<vmem>> -> memref<128xi32, #tpu.memory_space<vmem>>
    %dma_start3A_49 = arith.constant 0 : i32
    %dma_start3A_50 = arith.constant 0 : i32
    %dma_start3A_51 = tpu.memref_slice %arg2[%dma_start3A_49, %dma_start3A_50] : memref<81920x64xf32, #tpu.memory_space<hbm>> -> memref<81920x64xf32, #tpu.memory_space<hbm>>
    tpu.enqueue_indirect_dma source(%dma_start3A_51 : memref<81920x64xf32, #tpu.memory_space<hbm>>) target(%dma_start3A_45 : memref<128x64xf32, #tpu.memory_space<vmem>>) offsets(%dma_start3A_48 : memref<128xi32, #tpu.memory_space<vmem>>) semaphore(%arg13 : memref<!tpu.dma_semaphore, #tpu.memory_space<semaphore_mem>>)
    %dma_start3A_52 = arith.constant 2 : i32
    %dma_start3A_53 = arith.constant 256 : i32
    %dma_start3A_54 = arith.constant 0 : i32
    %dma_start3A_55 = tpu.memref_slice %arg10[%dma_start3A_53, %dma_start3A_54] : memref<512x64xf32, #tpu.memory_space<vmem>> -> memref<128x64xf32, #tpu.memory_space<vmem>>
    %dma_start3A_56 = arith.constant 0 : i32
    %dma_start3A_57 = tpu.memref_slice %arg7[%dma_start3A_52, %dma_start3A_56] : memref<20x128xi32, #tpu.memory_space<vmem>> -> memref<1x128xi32, #tpu.memory_space<vmem>>
    %dma_start3A_58 = tpu.memref_squeeze %dma_start3A_57 : memref<1x128xi32, #tpu.memory_space<vmem>> -> memref<128xi32, #tpu.memory_space<vmem>>
    %dma_start3A_59 = arith.constant 0 : i32
    %dma_start3A_60 = arith.constant 0 : i32
    %dma_start3A_61 = tpu.memref_slice %arg2[%dma_start3A_59, %dma_start3A_60] : memref<81920x64xf32, #tpu.memory_space<hbm>> -> memref<81920x64xf32, #tpu.memory_space<hbm>>
    tpu.enqueue_indirect_dma source(%dma_start3A_61 : memref<81920x64xf32, #tpu.memory_space<hbm>>) target(%dma_start3A_55 : memref<128x64xf32, #tpu.memory_space<vmem>>) offsets(%dma_start3A_58 : memref<128xi32, #tpu.memory_space<vmem>>) semaphore(%arg13 : memref<!tpu.dma_semaphore, #tpu.memory_space<semaphore_mem>>)
    %dma_start3A_62 = arith.constant 3 : i32
    %dma_start3A_63 = arith.constant 384 : i32
    %dma_start3A_64 = arith.constant 0 : i32
    %dma_start3A_65 = tpu.memref_slice %arg10[%dma_start3A_63, %dma_start3A_64] : memref<512x64xf32, #tpu.memory_space<vmem>> -> memref<128x64xf32, #tpu.memory_space<vmem>>
    %dma_start3A_66 = arith.constant 0 : i32
    %dma_start3A_67 = tpu.memref_slice %arg7[%dma_start3A_62, %dma_start3A_66] : memref<20x128xi32, #tpu.memory_space<vmem>> -> memref<1x128xi32, #tpu.memory_space<vmem>>
    %dma_start3A_68 = tpu.memref_squeeze %dma_start3A_67 : memref<1x128xi32, #tpu.memory_space<vmem>> -> memref<128xi32, #tpu.memory_space<vmem>>
    %dma_start3A_69 = arith.constant 0 : i32
    %dma_start3A_70 = arith.constant 0 : i32
    %dma_start3A_71 = tpu.memref_slice %arg2[%dma_start3A_69, %dma_start3A_70] : memref<81920x64xf32, #tpu.memory_space<hbm>> -> memref<81920x64xf32, #tpu.memory_space<hbm>>
    tpu.enqueue_indirect_dma source(%dma_start3A_71 : memref<81920x64xf32, #tpu.memory_space<hbm>>) target(%dma_start3A_65 : memref<128x64xf32, #tpu.memory_space<vmem>>) offsets(%dma_start3A_68 : memref<128xi32, #tpu.memory_space<vmem>>) semaphore(%arg13 : memref<!tpu.dma_semaphore, #tpu.memory_space<semaphore_mem>>)
    %dma_wait3A = arith.constant 0 : i32
    %dma_wait3A_72 = arith.constant 0 : i32
    %dma_wait3A_73 = arith.constant 0 : i32
    %dma_wait3A_74 = tpu.memref_slice %arg10[%dma_wait3A_72, %dma_wait3A_73] : memref<512x64xf32, #tpu.memory_space<vmem>> -> memref<128x64xf32, #tpu.memory_space<vmem>>
    %dma_wait3A_75 = arith.constant 0 : i32
    %dma_wait3A_76 = tpu.memref_slice %arg7[%dma_wait3A, %dma_wait3A_75] : memref<20x128xi32, #tpu.memory_space<vmem>> -> memref<1x128xi32, #tpu.memory_space<vmem>>
    %dma_wait3A_77 = tpu.memref_squeeze %dma_wait3A_76 : memref<1x128xi32, #tpu.memory_space<vmem>> -> memref<128xi32, #tpu.memory_space<vmem>>
    %dma_wait3A_78 = arith.constant 0 : i32
    %dma_wait3A_79 = arith.constant 0 : i32
    %dma_wait3A_80 = tpu.memref_slice %arg2[%dma_wait3A_78, %dma_wait3A_79] : memref<81920x64xf32, #tpu.memory_space<hbm>> -> memref<81920x64xf32, #tpu.memory_space<hbm>>
    tpu.wait_indirect_dma semaphore(%arg13 : memref<!tpu.dma_semaphore, #tpu.memory_space<semaphore_mem>>) src(%dma_wait3A_80 : memref<81920x64xf32, #tpu.memory_space<hbm>>) dst(%dma_wait3A_74 : memref<128x64xf32, #tpu.memory_space<vmem>>)
    %dma_wait3A_81 = arith.constant 1 : i32
    %dma_wait3A_82 = arith.constant 128 : i32
    %dma_wait3A_83 = arith.constant 0 : i32
    %dma_wait3A_84 = tpu.memref_slice %arg10[%dma_wait3A_82, %dma_wait3A_83] : memref<512x64xf32, #tpu.memory_space<vmem>> -> memref<128x64xf32, #tpu.memory_space<vmem>>
    %dma_wait3A_85 = arith.constant 0 : i32
    %dma_wait3A_86 = tpu.memref_slice %arg7[%dma_wait3A_81, %dma_wait3A_85] : memref<20x128xi32, #tpu.memory_space<vmem>> -> memref<1x128xi32, #tpu.memory_space<vmem>>
    %dma_wait3A_87 = tpu.memref_squeeze %dma_wait3A_86 : memref<1x128xi32, #tpu.memory_space<vmem>> -> memref<128xi32, #tpu.memory_space<vmem>>
    %dma_wait3A_88 = arith.constant 0 : i32
    %dma_wait3A_89 = arith.constant 0 : i32
    %dma_wait3A_90 = tpu.memref_slice %arg2[%dma_wait3A_88, %dma_wait3A_89] : memref<81920x64xf32, #tpu.memory_space<hbm>> -> memref<81920x64xf32, #tpu.memory_space<hbm>>
    tpu.wait_indirect_dma semaphore(%arg13 : memref<!tpu.dma_semaphore, #tpu.memory_space<semaphore_mem>>) src(%dma_wait3A_90 : memref<81920x64xf32, #tpu.memory_space<hbm>>) dst(%dma_wait3A_84 : memref<128x64xf32, #tpu.memory_space<vmem>>)
    %dma_wait3A_91 = arith.constant 2 : i32
    %dma_wait3A_92 = arith.constant 256 : i32
    %dma_wait3A_93 = arith.constant 0 : i32
    %dma_wait3A_94 = tpu.memref_slice %arg10[%dma_wait3A_92, %dma_wait3A_93] : memref<512x64xf32, #tpu.memory_space<vmem>> -> memref<128x64xf32, #tpu.memory_space<vmem>>
    %dma_wait3A_95 = arith.constant 0 : i32
    %dma_wait3A_96 = tpu.memref_slice %arg7[%dma_wait3A_91, %dma_wait3A_95] : memref<20x128xi32, #tpu.memory_space<vmem>> -> memref<1x128xi32, #tpu.memory_space<vmem>>
    %dma_wait3A_97 = tpu.memref_squeeze %dma_wait3A_96 : memref<1x128xi32, #tpu.memory_space<vmem>> -> memref<128xi32, #tpu.memory_space<vmem>>
    %dma_wait3A_98 = arith.constant 0 : i32
    %dma_wait3A_99 = arith.constant 0 : i32
    %dma_wait3A_100 = tpu.memref_slice %arg2[%dma_wait3A_98, %dma_wait3A_99] : memref<81920x64xf32, #tpu.memory_space<hbm>> -> memref<81920x64xf32, #tpu.memory_space<hbm>>
    tpu.wait_indirect_dma semaphore(%arg13 : memref<!tpu.dma_semaphore, #tpu.memory_space<semaphore_mem>>) src(%dma_wait3A_100 : memref<81920x64xf32, #tpu.memory_space<hbm>>) dst(%dma_wait3A_94 : memref<128x64xf32, #tpu.memory_space<vmem>>)
    %dma_wait3A_101 = arith.constant 3 : i32
    %dma_wait3A_102 = arith.constant 384 : i32
    %dma_wait3A_103 = arith.constant 0 : i32
    %dma_wait3A_104 = tpu.memref_slice %arg10[%dma_wait3A_102, %dma_wait3A_103] : memref<512x64xf32, #tpu.memory_space<vmem>> -> memref<128x64xf32, #tpu.memory_space<vmem>>
    %dma_wait3A_105 = arith.constant 0 : i32
    %dma_wait3A_106 = tpu.memref_slice %arg7[%dma_wait3A_101, %dma_wait3A_105] : memref<20x128xi32, #tpu.memory_space<vmem>> -> memref<1x128xi32, #tpu.memory_space<vmem>>
    %dma_wait3A_107 = tpu.memref_squeeze %dma_wait3A_106 : memref<1x128xi32, #tpu.memory_space<vmem>> -> memref<128xi32, #tpu.memory_space<vmem>>
    %dma_wait3A_108 = arith.constant 0 : i32
    %dma_wait3A_109 = arith.constant 0 : i32
    %dma_wait3A_110 = tpu.memref_slice %arg2[%dma_wait3A_108, %dma_wait3A_109] : memref<81920x64xf32, #tpu.memory_space<hbm>> -> memref<81920x64xf32, #tpu.memory_space<hbm>>
    tpu.wait_indirect_dma semaphore(%arg13 : memref<!tpu.dma_semaphore, #tpu.memory_space<semaphore_mem>>) src(%dma_wait3A_110 : memref<81920x64xf32, #tpu.memory_space<hbm>>) dst(%dma_wait3A_104 : memref<128x64xf32, #tpu.memory_space<vmem>>)
    %dma_start3A_111 = arith.constant 0 : i32
    %dma_start3A_112 = arith.constant 0 : i32
    %dma_start3A_113 = arith.constant 0 : i32
    %dma_start3A_114 = tpu.memref_slice %arg10[%dma_start3A_112, %dma_start3A_113] : memref<512x64xf32, #tpu.memory_space<vmem>> -> memref<128x64xf32, #tpu.memory_space<vmem>>
    %dma_start3A_115 = arith.constant 0 : i32
    %dma_start3A_116 = tpu.memref_slice %arg8[%dma_start3A_111, %dma_start3A_115] : memref<20x128xi32, #tpu.memory_space<vmem>> -> memref<1x128xi32, #tpu.memory_space<vmem>>
    %dma_start3A_117 = tpu.memref_squeeze %dma_start3A_116 : memref<1x128xi32, #tpu.memory_space<vmem>> -> memref<128xi32, #tpu.memory_space<vmem>>
    %dma_start3A_118 = arith.constant 0 : i32
    %dma_start3A_119 = arith.constant 0 : i32
    %dma_start3A_120 = tpu.memref_slice %arg6[%dma_start3A_118, %dma_start3A_119] : memref<81920x64xf32, #tpu.memory_space<hbm>> -> memref<81920x64xf32, #tpu.memory_space<hbm>>
    tpu.enqueue_indirect_dma source(%dma_start3A_114 : memref<128x64xf32, #tpu.memory_space<vmem>>) target(%dma_start3A_120 : memref<81920x64xf32, #tpu.memory_space<hbm>>) offsets(%dma_start3A_117 : memref<128xi32, #tpu.memory_space<vmem>>) semaphore(%arg14 : memref<!tpu.dma_semaphore, #tpu.memory_space<semaphore_mem>>)
    %dma_start3A_121 = arith.constant 1 : i32
    %dma_start3A_122 = arith.constant 128 : i32
    %dma_start3A_123 = arith.constant 0 : i32
    %dma_start3A_124 = tpu.memref_slice %arg10[%dma_start3A_122, %dma_start3A_123] : memref<512x64xf32, #tpu.memory_space<vmem>> -> memref<128x64xf32, #tpu.memory_space<vmem>>
    %dma_start3A_125 = arith.constant 0 : i32
    %dma_start3A_126 = tpu.memref_slice %arg8[%dma_start3A_121, %dma_start3A_125] : memref<20x128xi32, #tpu.memory_space<vmem>> -> memref<1x128xi32, #tpu.memory_space<vmem>>
    %dma_start3A_127 = tpu.memref_squeeze %dma_start3A_126 : memref<1x128xi32, #tpu.memory_space<vmem>> -> memref<128xi32, #tpu.memory_space<vmem>>
    %dma_start3A_128 = arith.constant 0 : i32
    %dma_start3A_129 = arith.constant 0 : i32
    %dma_start3A_130 = tpu.memref_slice %arg6[%dma_start3A_128, %dma_start3A_129] : memref<81920x64xf32, #tpu.memory_space<hbm>> -> memref<81920x64xf32, #tpu.memory_space<hbm>>
    tpu.enqueue_indirect_dma source(%dma_start3A_124 : memref<128x64xf32, #tpu.memory_space<vmem>>) target(%dma_start3A_130 : memref<81920x64xf32, #tpu.memory_space<hbm>>) offsets(%dma_start3A_127 : memref<128xi32, #tpu.memory_space<vmem>>) semaphore(%arg14 : memref<!tpu.dma_semaphore, #tpu.memory_space<semaphore_mem>>)
    %dma_start3A_131 = arith.constant 2 : i32
    %dma_start3A_132 = arith.constant 256 : i32
    %dma_start3A_133 = arith.constant 0 : i32
    %dma_start3A_134 = tpu.memref_slice %arg10[%dma_start3A_132, %dma_start3A_133] : memref<512x64xf32, #tpu.memory_space<vmem>> -> memref<128x64xf32, #tpu.memory_space<vmem>>
    %dma_start3A_135 = arith.constant 0 : i32
    %dma_start3A_136 = tpu.memref_slice %arg8[%dma_start3A_131, %dma_start3A_135] : memref<20x128xi32, #tpu.memory_space<vmem>> -> memref<1x128xi32, #tpu.memory_space<vmem>>
    %dma_start3A_137 = tpu.memref_squeeze %dma_start3A_136 : memref<1x128xi32, #tpu.memory_space<vmem>> -> memref<128xi32, #tpu.memory_space<vmem>>
    %dma_start3A_138 = arith.constant 0 : i32
    %dma_start3A_139 = arith.constant 0 : i32
    %dma_start3A_140 = tpu.memref_slice %arg6[%dma_start3A_138, %dma_start3A_139] : memref<81920x64xf32, #tpu.memory_space<hbm>> -> memref<81920x64xf32, #tpu.memory_space<hbm>>
    tpu.enqueue_indirect_dma source(%dma_start3A_134 : memref<128x64xf32, #tpu.memory_space<vmem>>) target(%dma_start3A_140 : memref<81920x64xf32, #tpu.memory_space<hbm>>) offsets(%dma_start3A_137 : memref<128xi32, #tpu.memory_space<vmem>>) semaphore(%arg14 : memref<!tpu.dma_semaphore, #tpu.memory_space<semaphore_mem>>)
    %dma_start3A_141 = arith.constant 3 : i32
    %dma_start3A_142 = arith.constant 384 : i32
    %dma_start3A_143 = arith.constant 0 : i32
    %dma_start3A_144 = tpu.memref_slice %arg10[%dma_start3A_142, %dma_start3A_143] : memref<512x64xf32, #tpu.memory_space<vmem>> -> memref<128x64xf32, #tpu.memory_space<vmem>>
    %dma_start3A_145 = arith.constant 0 : i32
    %dma_start3A_146 = tpu.memref_slice %arg8[%dma_start3A_141, %dma_start3A_145] : memref<20x128xi32, #tpu.memory_space<vmem>> -> memref<1x128xi32, #tpu.memory_space<vmem>>
    %dma_start3A_147 = tpu.memref_squeeze %dma_start3A_146 : memref<1x128xi32, #tpu.memory_space<vmem>> -> memref<128xi32, #tpu.memory_space<vmem>>
    %dma_start3A_148 = arith.constant 0 : i32
    %dma_start3A_149 = arith.constant 0 : i32
    %dma_start3A_150 = tpu.memref_slice %arg6[%dma_start3A_148, %dma_start3A_149] : memref<81920x64xf32, #tpu.memory_space<hbm>> -> memref<81920x64xf32, #tpu.memory_space<hbm>>
    tpu.enqueue_indirect_dma source(%dma_start3A_144 : memref<128x64xf32, #tpu.memory_space<vmem>>) target(%dma_start3A_150 : memref<81920x64xf32, #tpu.memory_space<hbm>>) offsets(%dma_start3A_147 : memref<128xi32, #tpu.memory_space<vmem>>) semaphore(%arg14 : memref<!tpu.dma_semaphore, #tpu.memory_space<semaphore_mem>>)
    %dma_start3A_151 = arith.constant 4 : i32
    %dma_start3A_152 = arith.constant 0 : i32
    %dma_start3A_153 = arith.constant 0 : i32
    %dma_start3A_154 = tpu.memref_slice %arg11[%dma_start3A_152, %dma_start3A_153] : memref<512x64xf32, #tpu.memory_space<vmem>> -> memref<128x64xf32, #tpu.memory_space<vmem>>
    %dma_start3A_155 = arith.constant 0 : i32
    %dma_start3A_156 = tpu.memref_slice %arg7[%dma_start3A_151, %dma_start3A_155] : memref<20x128xi32, #tpu.memory_space<vmem>> -> memref<1x128xi32, #tpu.memory_space<vmem>>
    %dma_start3A_157 = tpu.memref_squeeze %dma_start3A_156 : memref<1x128xi32, #tpu.memory_space<vmem>> -> memref<128xi32, #tpu.memory_space<vmem>>
    %dma_start3A_158 = arith.constant 0 : i32
    %dma_start3A_159 = arith.constant 0 : i32
    %dma_start3A_160 = tpu.memref_slice %arg2[%dma_start3A_158, %dma_start3A_159] : memref<81920x64xf32, #tpu.memory_space<hbm>> -> memref<81920x64xf32, #tpu.memory_space<hbm>>
    tpu.enqueue_indirect_dma source(%dma_start3A_160 : memref<81920x64xf32, #tpu.memory_space<hbm>>) target(%dma_start3A_154 : memref<128x64xf32, #tpu.memory_space<vmem>>) offsets(%dma_start3A_157 : memref<128xi32, #tpu.memory_space<vmem>>) semaphore(%arg13 : memref<!tpu.dma_semaphore, #tpu.memory_space<semaphore_mem>>)
    %dma_start3A_161 = arith.constant 5 : i32
    %dma_start3A_162 = arith.constant 128 : i32
    %dma_start3A_163 = arith.constant 0 : i32
    %dma_start3A_164 = tpu.memref_slice %arg11[%dma_start3A_162, %dma_start3A_163] : memref<512x64xf32, #tpu.memory_space<vmem>> -> memref<128x64xf32, #tpu.memory_space<vmem>>
    %dma_start3A_165 = arith.constant 0 : i32
    %dma_start3A_166 = tpu.memref_slice %arg7[%dma_start3A_161, %dma_start3A_165] : memref<20x128xi32, #tpu.memory_space<vmem>> -> memref<1x128xi32, #tpu.memory_space<vmem>>
    %dma_start3A_167 = tpu.memref_squeeze %dma_start3A_166 : memref<1x128xi32, #tpu.memory_space<vmem>> -> memref<128xi32, #tpu.memory_space<vmem>>
    %dma_start3A_168 = arith.constant 0 : i32
    %dma_start3A_169 = arith.constant 0 : i32
    %dma_start3A_170 = tpu.memref_slice %arg2[%dma_start3A_168, %dma_start3A_169] : memref<81920x64xf32, #tpu.memory_space<hbm>> -> memref<81920x64xf32, #tpu.memory_space<hbm>>
    tpu.enqueue_indirect_dma source(%dma_start3A_170 : memref<81920x64xf32, #tpu.memory_space<hbm>>) target(%dma_start3A_164 : memref<128x64xf32, #tpu.memory_space<vmem>>) offsets(%dma_start3A_167 : memref<128xi32, #tpu.memory_space<vmem>>) semaphore(%arg13 : memref<!tpu.dma_semaphore, #tpu.memory_space<semaphore_mem>>)
    %dma_start3A_171 = arith.constant 6 : i32
    %dma_start3A_172 = arith.constant 256 : i32
    %dma_start3A_173 = arith.constant 0 : i32
    %dma_start3A_174 = tpu.memref_slice %arg11[%dma_start3A_172, %dma_start3A_173] : memref<512x64xf32, #tpu.memory_space<vmem>> -> memref<128x64xf32, #tpu.memory_space<vmem>>
    %dma_start3A_175 = arith.constant 0 : i32
    %dma_start3A_176 = tpu.memref_slice %arg7[%dma_start3A_171, %dma_start3A_175] : memref<20x128xi32, #tpu.memory_space<vmem>> -> memref<1x128xi32, #tpu.memory_space<vmem>>
    %dma_start3A_177 = tpu.memref_squeeze %dma_start3A_176 : memref<1x128xi32, #tpu.memory_space<vmem>> -> memref<128xi32, #tpu.memory_space<vmem>>
    %dma_start3A_178 = arith.constant 0 : i32
    %dma_start3A_179 = arith.constant 0 : i32
    %dma_start3A_180 = tpu.memref_slice %arg2[%dma_start3A_178, %dma_start3A_179] : memref<81920x64xf32, #tpu.memory_space<hbm>> -> memref<81920x64xf32, #tpu.memory_space<hbm>>
    tpu.enqueue_indirect_dma source(%dma_start3A_180 : memref<81920x64xf32, #tpu.memory_space<hbm>>) target(%dma_start3A_174 : memref<128x64xf32, #tpu.memory_space<vmem>>) offsets(%dma_start3A_177 : memref<128xi32, #tpu.memory_space<vmem>>) semaphore(%arg13 : memref<!tpu.dma_semaphore, #tpu.memory_space<semaphore_mem>>)
    %dma_start3A_181 = arith.constant 7 : i32
    %dma_start3A_182 = arith.constant 384 : i32
    %dma_start3A_183 = arith.constant 0 : i32
    %dma_start3A_184 = tpu.memref_slice %arg11[%dma_start3A_182, %dma_start3A_183] : memref<512x64xf32, #tpu.memory_space<vmem>> -> memref<128x64xf32, #tpu.memory_space<vmem>>
    %dma_start3A_185 = arith.constant 0 : i32
    %dma_start3A_186 = tpu.memref_slice %arg7[%dma_start3A_181, %dma_start3A_185] : memref<20x128xi32, #tpu.memory_space<vmem>> -> memref<1x128xi32, #tpu.memory_space<vmem>>
    %dma_start3A_187 = tpu.memref_squeeze %dma_start3A_186 : memref<1x128xi32, #tpu.memory_space<vmem>> -> memref<128xi32, #tpu.memory_space<vmem>>
    %dma_start3A_188 = arith.constant 0 : i32
    %dma_start3A_189 = arith.constant 0 : i32
    %dma_start3A_190 = tpu.memref_slice %arg2[%dma_start3A_188, %dma_start3A_189] : memref<81920x64xf32, #tpu.memory_space<hbm>> -> memref<81920x64xf32, #tpu.memory_space<hbm>>
    tpu.enqueue_indirect_dma source(%dma_start3A_190 : memref<81920x64xf32, #tpu.memory_space<hbm>>) target(%dma_start3A_184 : memref<128x64xf32, #tpu.memory_space<vmem>>) offsets(%dma_start3A_187 : memref<128xi32, #tpu.memory_space<vmem>>) semaphore(%arg13 : memref<!tpu.dma_semaphore, #tpu.memory_space<semaphore_mem>>)
    %dma_wait3A_191 = arith.constant 4 : i32
    %dma_wait3A_192 = arith.constant 0 : i32
    %dma_wait3A_193 = arith.constant 0 : i32
    %dma_wait3A_194 = tpu.memref_slice %arg11[%dma_wait3A_192, %dma_wait3A_193] : memref<512x64xf32, #tpu.memory_space<vmem>> -> memref<128x64xf32, #tpu.memory_space<vmem>>
    %dma_wait3A_195 = arith.constant 0 : i32
    %dma_wait3A_196 = tpu.memref_slice %arg7[%dma_wait3A_191, %dma_wait3A_195] : memref<20x128xi32, #tpu.memory_space<vmem>> -> memref<1x128xi32, #tpu.memory_space<vmem>>
    %dma_wait3A_197 = tpu.memref_squeeze %dma_wait3A_196 : memref<1x128xi32, #tpu.memory_space<vmem>> -> memref<128xi32, #tpu.memory_space<vmem>>
    %dma_wait3A_198 = arith.constant 0 : i32
    %dma_wait3A_199 = arith.constant 0 : i32
    %dma_wait3A_200 = tpu.memref_slice %arg2[%dma_wait3A_198, %dma_wait3A_199] : memref<81920x64xf32, #tpu.memory_space<hbm>> -> memref<81920x64xf32, #tpu.memory_space<hbm>>
    tpu.wait_indirect_dma semaphore(%arg13 : memref<!tpu.dma_semaphore, #tpu.memory_space<semaphore_mem>>) src(%dma_wait3A_200 : memref<81920x64xf32, #tpu.memory_space<hbm>>) dst(%dma_wait3A_194 : memref<128x64xf32, #tpu.memory_space<vmem>>)
    %dma_wait3A_201 = arith.constant 5 : i32
    %dma_wait3A_202 = arith.constant 128 : i32
    %dma_wait3A_203 = arith.constant 0 : i32
    %dma_wait3A_204 = tpu.memref_slice %arg11[%dma_wait3A_202, %dma_wait3A_203] : memref<512x64xf32, #tpu.memory_space<vmem>> -> memref<128x64xf32, #tpu.memory_space<vmem>>
    %dma_wait3A_205 = arith.constant 0 : i32
    %dma_wait3A_206 = tpu.memref_slice %arg7[%dma_wait3A_201, %dma_wait3A_205] : memref<20x128xi32, #tpu.memory_space<vmem>> -> memref<1x128xi32, #tpu.memory_space<vmem>>
    %dma_wait3A_207 = tpu.memref_squeeze %dma_wait3A_206 : memref<1x128xi32, #tpu.memory_space<vmem>> -> memref<128xi32, #tpu.memory_space<vmem>>
    %dma_wait3A_208 = arith.constant 0 : i32
    %dma_wait3A_209 = arith.constant 0 : i32
    %dma_wait3A_210 = tpu.memref_slice %arg2[%dma_wait3A_208, %dma_wait3A_209] : memref<81920x64xf32, #tpu.memory_space<hbm>> -> memref<81920x64xf32, #tpu.memory_space<hbm>>
    tpu.wait_indirect_dma semaphore(%arg13 : memref<!tpu.dma_semaphore, #tpu.memory_space<semaphore_mem>>) src(%dma_wait3A_210 : memref<81920x64xf32, #tpu.memory_space<hbm>>) dst(%dma_wait3A_204 : memref<128x64xf32, #tpu.memory_space<vmem>>)
    %dma_wait3A_211 = arith.constant 6 : i32
    %dma_wait3A_212 = arith.constant 256 : i32
    %dma_wait3A_213 = arith.constant 0 : i32
    %dma_wait3A_214 = tpu.memref_slice %arg11[%dma_wait3A_212, %dma_wait3A_213] : memref<512x64xf32, #tpu.memory_space<vmem>> -> memref<128x64xf32, #tpu.memory_space<vmem>>
    %dma_wait3A_215 = arith.constant 0 : i32
    %dma_wait3A_216 = tpu.memref_slice %arg7[%dma_wait3A_211, %dma_wait3A_215] : memref<20x128xi32, #tpu.memory_space<vmem>> -> memref<1x128xi32, #tpu.memory_space<vmem>>
    %dma_wait3A_217 = tpu.memref_squeeze %dma_wait3A_216 : memref<1x128xi32, #tpu.memory_space<vmem>> -> memref<128xi32, #tpu.memory_space<vmem>>
    %dma_wait3A_218 = arith.constant 0 : i32
    %dma_wait3A_219 = arith.constant 0 : i32
    %dma_wait3A_220 = tpu.memref_slice %arg2[%dma_wait3A_218, %dma_wait3A_219] : memref<81920x64xf32, #tpu.memory_space<hbm>> -> memref<81920x64xf32, #tpu.memory_space<hbm>>
    tpu.wait_indirect_dma semaphore(%arg13 : memref<!tpu.dma_semaphore, #tpu.memory_space<semaphore_mem>>) src(%dma_wait3A_220 : memref<81920x64xf32, #tpu.memory_space<hbm>>) dst(%dma_wait3A_214 : memref<128x64xf32, #tpu.memory_space<vmem>>)
    %dma_wait3A_221 = arith.constant 7 : i32
    %dma_wait3A_222 = arith.constant 384 : i32
    %dma_wait3A_223 = arith.constant 0 : i32
    %dma_wait3A_224 = tpu.memref_slice %arg11[%dma_wait3A_222, %dma_wait3A_223] : memref<512x64xf32, #tpu.memory_space<vmem>> -> memref<128x64xf32, #tpu.memory_space<vmem>>
    %dma_wait3A_225 = arith.constant 0 : i32
    %dma_wait3A_226 = tpu.memref_slice %arg7[%dma_wait3A_221, %dma_wait3A_225] : memref<20x128xi32, #tpu.memory_space<vmem>> -> memref<1x128xi32, #tpu.memory_space<vmem>>
    %dma_wait3A_227 = tpu.memref_squeeze %dma_wait3A_226 : memref<1x128xi32, #tpu.memory_space<vmem>> -> memref<128xi32, #tpu.memory_space<vmem>>
    %dma_wait3A_228 = arith.constant 0 : i32
    %dma_wait3A_229 = arith.constant 0 : i32
    %dma_wait3A_230 = tpu.memref_slice %arg2[%dma_wait3A_228, %dma_wait3A_229] : memref<81920x64xf32, #tpu.memory_space<hbm>> -> memref<81920x64xf32, #tpu.memory_space<hbm>>
    tpu.wait_indirect_dma semaphore(%arg13 : memref<!tpu.dma_semaphore, #tpu.memory_space<semaphore_mem>>) src(%dma_wait3A_230 : memref<81920x64xf32, #tpu.memory_space<hbm>>) dst(%dma_wait3A_224 : memref<128x64xf32, #tpu.memory_space<vmem>>)
    %dma_start3A_231 = arith.constant 4 : i32
    %dma_start3A_232 = arith.constant 0 : i32
    %dma_start3A_233 = arith.constant 0 : i32
    %dma_start3A_234 = tpu.memref_slice %arg11[%dma_start3A_232, %dma_start3A_233] : memref<512x64xf32, #tpu.memory_space<vmem>> -> memref<128x64xf32, #tpu.memory_space<vmem>>
    %dma_start3A_235 = arith.constant 0 : i32
    %dma_start3A_236 = tpu.memref_slice %arg8[%dma_start3A_231, %dma_start3A_235] : memref<20x128xi32, #tpu.memory_space<vmem>> -> memref<1x128xi32, #tpu.memory_space<vmem>>
    %dma_start3A_237 = tpu.memref_squeeze %dma_start3A_236 : memref<1x128xi32, #tpu.memory_space<vmem>> -> memref<128xi32, #tpu.memory_space<vmem>>
    %dma_start3A_238 = arith.constant 0 : i32
    %dma_start3A_239 = arith.constant 0 : i32
    %dma_start3A_240 = tpu.memref_slice %arg6[%dma_start3A_238, %dma_start3A_239] : memref<81920x64xf32, #tpu.memory_space<hbm>> -> memref<81920x64xf32, #tpu.memory_space<hbm>>
    tpu.enqueue_indirect_dma source(%dma_start3A_234 : memref<128x64xf32, #tpu.memory_space<vmem>>) target(%dma_start3A_240 : memref<81920x64xf32, #tpu.memory_space<hbm>>) offsets(%dma_start3A_237 : memref<128xi32, #tpu.memory_space<vmem>>) semaphore(%arg15 : memref<!tpu.dma_semaphore, #tpu.memory_space<semaphore_mem>>)
    %dma_start3A_241 = arith.constant 5 : i32
    %dma_start3A_242 = arith.constant 128 : i32
    %dma_start3A_243 = arith.constant 0 : i32
    %dma_start3A_244 = tpu.memref_slice %arg11[%dma_start3A_242, %dma_start3A_243] : memref<512x64xf32, #tpu.memory_space<vmem>> -> memref<128x64xf32, #tpu.memory_space<vmem>>
    %dma_start3A_245 = arith.constant 0 : i32
    %dma_start3A_246 = tpu.memref_slice %arg8[%dma_start3A_241, %dma_start3A_245] : memref<20x128xi32, #tpu.memory_space<vmem>> -> memref<1x128xi32, #tpu.memory_space<vmem>>
    %dma_start3A_247 = tpu.memref_squeeze %dma_start3A_246 : memref<1x128xi32, #tpu.memory_space<vmem>> -> memref<128xi32, #tpu.memory_space<vmem>>
    %dma_start3A_248 = arith.constant 0 : i32
    %dma_start3A_249 = arith.constant 0 : i32
    %dma_start3A_250 = tpu.memref_slice %arg6[%dma_start3A_248, %dma_start3A_249] : memref<81920x64xf32, #tpu.memory_space<hbm>> -> memref<81920x64xf32, #tpu.memory_space<hbm>>
    tpu.enqueue_indirect_dma source(%dma_start3A_244 : memref<128x64xf32, #tpu.memory_space<vmem>>) target(%dma_start3A_250 : memref<81920x64xf32, #tpu.memory_space<hbm>>) offsets(%dma_start3A_247 : memref<128xi32, #tpu.memory_space<vmem>>) semaphore(%arg15 : memref<!tpu.dma_semaphore, #tpu.memory_space<semaphore_mem>>)
    %dma_start3A_251 = arith.constant 6 : i32
    %dma_start3A_252 = arith.constant 256 : i32
    %dma_start3A_253 = arith.constant 0 : i32
    %dma_start3A_254 = tpu.memref_slice %arg11[%dma_start3A_252, %dma_start3A_253] : memref<512x64xf32, #tpu.memory_space<vmem>> -> memref<128x64xf32, #tpu.memory_space<vmem>>
    %dma_start3A_255 = arith.constant 0 : i32
    %dma_start3A_256 = tpu.memref_slice %arg8[%dma_start3A_251, %dma_start3A_255] : memref<20x128xi32, #tpu.memory_space<vmem>> -> memref<1x128xi32, #tpu.memory_space<vmem>>
    %dma_start3A_257 = tpu.memref_squeeze %dma_start3A_256 : memref<1x128xi32, #tpu.memory_space<vmem>> -> memref<128xi32, #tpu.memory_space<vmem>>
    %dma_start3A_258 = arith.constant 0 : i32
    %dma_start3A_259 = arith.constant 0 : i32
    %dma_start3A_260 = tpu.memref_slice %arg6[%dma_start3A_258, %dma_start3A_259] : memref<81920x64xf32, #tpu.memory_space<hbm>> -> memref<81920x64xf32, #tpu.memory_space<hbm>>
    tpu.enqueue_indirect_dma source(%dma_start3A_254 : memref<128x64xf32, #tpu.memory_space<vmem>>) target(%dma_start3A_260 : memref<81920x64xf32, #tpu.memory_space<hbm>>) offsets(%dma_start3A_257 : memref<128xi32, #tpu.memory_space<vmem>>) semaphore(%arg15 : memref<!tpu.dma_semaphore, #tpu.memory_space<semaphore_mem>>)
    %dma_start3A_261 = arith.constant 7 : i32
    %dma_start3A_262 = arith.constant 384 : i32
    %dma_start3A_263 = arith.constant 0 : i32
    %dma_start3A_264 = tpu.memref_slice %arg11[%dma_start3A_262, %dma_start3A_263] : memref<512x64xf32, #tpu.memory_space<vmem>> -> memref<128x64xf32, #tpu.memory_space<vmem>>
    %dma_start3A_265 = arith.constant 0 : i32
    %dma_start3A_266 = tpu.memref_slice %arg8[%dma_start3A_261, %dma_start3A_265] : memref<20x128xi32, #tpu.memory_space<vmem>> -> memref<1x128xi32, #tpu.memory_space<vmem>>
    %dma_start3A_267 = tpu.memref_squeeze %dma_start3A_266 : memref<1x128xi32, #tpu.memory_space<vmem>> -> memref<128xi32, #tpu.memory_space<vmem>>
    %dma_start3A_268 = arith.constant 0 : i32
    %dma_start3A_269 = arith.constant 0 : i32
    %dma_start3A_270 = tpu.memref_slice %arg6[%dma_start3A_268, %dma_start3A_269] : memref<81920x64xf32, #tpu.memory_space<hbm>> -> memref<81920x64xf32, #tpu.memory_space<hbm>>
    tpu.enqueue_indirect_dma source(%dma_start3A_264 : memref<128x64xf32, #tpu.memory_space<vmem>>) target(%dma_start3A_270 : memref<81920x64xf32, #tpu.memory_space<hbm>>) offsets(%dma_start3A_267 : memref<128xi32, #tpu.memory_space<vmem>>) semaphore(%arg15 : memref<!tpu.dma_semaphore, #tpu.memory_space<semaphore_mem>>)
    %dma_wait3A_271 = arith.constant 0 : i32
    %dma_wait3A_272 = arith.constant 0 : i32
    %dma_wait3A_273 = arith.constant 0 : i32
    %dma_wait3A_274 = tpu.memref_slice %arg10[%dma_wait3A_272, %dma_wait3A_273] : memref<512x64xf32, #tpu.memory_space<vmem>> -> memref<128x64xf32, #tpu.memory_space<vmem>>
    %dma_wait3A_275 = arith.constant 0 : i32
    %dma_wait3A_276 = tpu.memref_slice %arg8[%dma_wait3A_271, %dma_wait3A_275] : memref<20x128xi32, #tpu.memory_space<vmem>> -> memref<1x128xi32, #tpu.memory_space<vmem>>
    %dma_wait3A_277 = tpu.memref_squeeze %dma_wait3A_276 : memref<1x128xi32, #tpu.memory_space<vmem>> -> memref<128xi32, #tpu.memory_space<vmem>>
    %dma_wait3A_278 = arith.constant 0 : i32
    %dma_wait3A_279 = arith.constant 0 : i32
    %dma_wait3A_280 = tpu.memref_slice %arg6[%dma_wait3A_278, %dma_wait3A_279] : memref<81920x64xf32, #tpu.memory_space<hbm>> -> memref<81920x64xf32, #tpu.memory_space<hbm>>
    tpu.wait_indirect_dma semaphore(%arg14 : memref<!tpu.dma_semaphore, #tpu.memory_space<semaphore_mem>>) src(%dma_wait3A_274 : memref<128x64xf32, #tpu.memory_space<vmem>>) dst(%dma_wait3A_280 : memref<81920x64xf32, #tpu.memory_space<hbm>>)
    %dma_wait3A_281 = arith.constant 1 : i32
    %dma_wait3A_282 = arith.constant 128 : i32
    %dma_wait3A_283 = arith.constant 0 : i32
    %dma_wait3A_284 = tpu.memref_slice %arg10[%dma_wait3A_282, %dma_wait3A_283] : memref<512x64xf32, #tpu.memory_space<vmem>> -> memref<128x64xf32, #tpu.memory_space<vmem>>
    %dma_wait3A_285 = arith.constant 0 : i32
    %dma_wait3A_286 = tpu.memref_slice %arg8[%dma_wait3A_281, %dma_wait3A_285] : memref<20x128xi32, #tpu.memory_space<vmem>> -> memref<1x128xi32, #tpu.memory_space<vmem>>
    %dma_wait3A_287 = tpu.memref_squeeze %dma_wait3A_286 : memref<1x128xi32, #tpu.memory_space<vmem>> -> memref<128xi32, #tpu.memory_space<vmem>>
    %dma_wait3A_288 = arith.constant 0 : i32
    %dma_wait3A_289 = arith.constant 0 : i32
    %dma_wait3A_290 = tpu.memref_slice %arg6[%dma_wait3A_288, %dma_wait3A_289] : memref<81920x64xf32, #tpu.memory_space<hbm>> -> memref<81920x64xf32, #tpu.memory_space<hbm>>
    tpu.wait_indirect_dma semaphore(%arg14 : memref<!tpu.dma_semaphore, #tpu.memory_space<semaphore_mem>>) src(%dma_wait3A_284 : memref<128x64xf32, #tpu.memory_space<vmem>>) dst(%dma_wait3A_290 : memref<81920x64xf32, #tpu.memory_space<hbm>>)
    %dma_wait3A_291 = arith.constant 2 : i32
    %dma_wait3A_292 = arith.constant 256 : i32
    %dma_wait3A_293 = arith.constant 0 : i32
    %dma_wait3A_294 = tpu.memref_slice %arg10[%dma_wait3A_292, %dma_wait3A_293] : memref<512x64xf32, #tpu.memory_space<vmem>> -> memref<128x64xf32, #tpu.memory_space<vmem>>
    %dma_wait3A_295 = arith.constant 0 : i32
    %dma_wait3A_296 = tpu.memref_slice %arg8[%dma_wait3A_291, %dma_wait3A_295] : memref<20x128xi32, #tpu.memory_space<vmem>> -> memref<1x128xi32, #tpu.memory_space<vmem>>
    %dma_wait3A_297 = tpu.memref_squeeze %dma_wait3A_296 : memref<1x128xi32, #tpu.memory_space<vmem>> -> memref<128xi32, #tpu.memory_space<vmem>>
    %dma_wait3A_298 = arith.constant 0 : i32
    %dma_wait3A_299 = arith.constant 0 : i32
    %dma_wait3A_300 = tpu.memref_slice %arg6[%dma_wait3A_298, %dma_wait3A_299] : memref<81920x64xf32, #tpu.memory_space<hbm>> -> memref<81920x64xf32, #tpu.memory_space<hbm>>
    tpu.wait_indirect_dma semaphore(%arg14 : memref<!tpu.dma_semaphore, #tpu.memory_space<semaphore_mem>>) src(%dma_wait3A_294 : memref<128x64xf32, #tpu.memory_space<vmem>>) dst(%dma_wait3A_300 : memref<81920x64xf32, #tpu.memory_space<hbm>>)
    %dma_wait3A_301 = arith.constant 3 : i32
    %dma_wait3A_302 = arith.constant 384 : i32
    %dma_wait3A_303 = arith.constant 0 : i32
    %dma_wait3A_304 = tpu.memref_slice %arg10[%dma_wait3A_302, %dma_wait3A_303] : memref<512x64xf32, #tpu.memory_space<vmem>> -> memref<128x64xf32, #tpu.memory_space<vmem>>
    %dma_wait3A_305 = arith.constant 0 : i32
    %dma_wait3A_306 = tpu.memref_slice %arg8[%dma_wait3A_301, %dma_wait3A_305] : memref<20x128xi32, #tpu.memory_space<vmem>> -> memref<1x128xi32, #tpu.memory_space<vmem>>
    %dma_wait3A_307 = tpu.memref_squeeze %dma_wait3A_306 : memref<1x128xi32, #tpu.memory_space<vmem>> -> memref<128xi32, #tpu.memory_space<vmem>>
    %dma_wait3A_308 = arith.constant 0 : i32
    %dma_wait3A_309 = arith.constant 0 : i32
    %dma_wait3A_310 = tpu.memref_slice %arg6[%dma_wait3A_308, %dma_wait3A_309] : memref<81920x64xf32, #tpu.memory_space<hbm>> -> memref<81920x64xf32, #tpu.memory_space<hbm>>
    tpu.wait_indirect_dma semaphore(%arg14 : memref<!tpu.dma_semaphore, #tpu.memory_space<semaphore_mem>>) src(%dma_wait3A_304 : memref<128x64xf32, #tpu.memory_space<vmem>>) dst(%dma_wait3A_310 : memref<81920x64xf32, #tpu.memory_space<hbm>>)
    %dma_start3A_311 = arith.constant 8 : i32
    %dma_start3A_312 = arith.constant 0 : i32
    %dma_start3A_313 = arith.constant 0 : i32
    %dma_start3A_314 = tpu.memref_slice %arg10[%dma_start3A_312, %dma_start3A_313] : memref<512x64xf32, #tpu.memory_space<vmem>> -> memref<128x64xf32, #tpu.memory_space<vmem>>
    %dma_start3A_315 = arith.constant 0 : i32
    %dma_start3A_316 = tpu.memref_slice %arg7[%dma_start3A_311, %dma_start3A_315] : memref<20x128xi32, #tpu.memory_space<vmem>> -> memref<1x128xi32, #tpu.memory_space<vmem>>
    %dma_start3A_317 = tpu.memref_squeeze %dma_start3A_316 : memref<1x128xi32, #tpu.memory_space<vmem>> -> memref<128xi32, #tpu.memory_space<vmem>>
    %dma_start3A_318 = arith.constant 0 : i32
    %dma_start3A_319 = arith.constant 0 : i32
    %dma_start3A_320 = tpu.memref_slice %arg2[%dma_start3A_318, %dma_start3A_319] : memref<81920x64xf32, #tpu.memory_space<hbm>> -> memref<81920x64xf32, #tpu.memory_space<hbm>>
    tpu.enqueue_indirect_dma source(%dma_start3A_320 : memref<81920x64xf32, #tpu.memory_space<hbm>>) target(%dma_start3A_314 : memref<128x64xf32, #tpu.memory_space<vmem>>) offsets(%dma_start3A_317 : memref<128xi32, #tpu.memory_space<vmem>>) semaphore(%arg13 : memref<!tpu.dma_semaphore, #tpu.memory_space<semaphore_mem>>)
    %dma_start3A_321 = arith.constant 9 : i32
    %dma_start3A_322 = arith.constant 128 : i32
    %dma_start3A_323 = arith.constant 0 : i32
    %dma_start3A_324 = tpu.memref_slice %arg10[%dma_start3A_322, %dma_start3A_323] : memref<512x64xf32, #tpu.memory_space<vmem>> -> memref<128x64xf32, #tpu.memory_space<vmem>>
    %dma_start3A_325 = arith.constant 0 : i32
    %dma_start3A_326 = tpu.memref_slice %arg7[%dma_start3A_321, %dma_start3A_325] : memref<20x128xi32, #tpu.memory_space<vmem>> -> memref<1x128xi32, #tpu.memory_space<vmem>>
    %dma_start3A_327 = tpu.memref_squeeze %dma_start3A_326 : memref<1x128xi32, #tpu.memory_space<vmem>> -> memref<128xi32, #tpu.memory_space<vmem>>
    %dma_start3A_328 = arith.constant 0 : i32
    %dma_start3A_329 = arith.constant 0 : i32
    %dma_start3A_330 = tpu.memref_slice %arg2[%dma_start3A_328, %dma_start3A_329] : memref<81920x64xf32, #tpu.memory_space<hbm>> -> memref<81920x64xf32, #tpu.memory_space<hbm>>
    tpu.enqueue_indirect_dma source(%dma_start3A_330 : memref<81920x64xf32, #tpu.memory_space<hbm>>) target(%dma_start3A_324 : memref<128x64xf32, #tpu.memory_space<vmem>>) offsets(%dma_start3A_327 : memref<128xi32, #tpu.memory_space<vmem>>) semaphore(%arg13 : memref<!tpu.dma_semaphore, #tpu.memory_space<semaphore_mem>>)
    %dma_start3A_331 = arith.constant 10 : i32
    %dma_start3A_332 = arith.constant 256 : i32
    %dma_start3A_333 = arith.constant 0 : i32
    %dma_start3A_334 = tpu.memref_slice %arg10[%dma_start3A_332, %dma_start3A_333] : memref<512x64xf32, #tpu.memory_space<vmem>> -> memref<128x64xf32, #tpu.memory_space<vmem>>
    %dma_start3A_335 = arith.constant 0 : i32
    %dma_start3A_336 = tpu.memref_slice %arg7[%dma_start3A_331, %dma_start3A_335] : memref<20x128xi32, #tpu.memory_space<vmem>> -> memref<1x128xi32, #tpu.memory_space<vmem>>
    %dma_start3A_337 = tpu.memref_squeeze %dma_start3A_336 : memref<1x128xi32, #tpu.memory_space<vmem>> -> memref<128xi32, #tpu.memory_space<vmem>>
    %dma_start3A_338 = arith.constant 0 : i32
    %dma_start3A_339 = arith.constant 0 : i32
    %dma_start3A_340 = tpu.memref_slice %arg2[%dma_start3A_338, %dma_start3A_339] : memref<81920x64xf32, #tpu.memory_space<hbm>> -> memref<81920x64xf32, #tpu.memory_space<hbm>>
    tpu.enqueue_indirect_dma source(%dma_start3A_340 : memref<81920x64xf32, #tpu.memory_space<hbm>>) target(%dma_start3A_334 : memref<128x64xf32, #tpu.memory_space<vmem>>) offsets(%dma_start3A_337 : memref<128xi32, #tpu.memory_space<vmem>>) semaphore(%arg13 : memref<!tpu.dma_semaphore, #tpu.memory_space<semaphore_mem>>)
    %dma_start3A_341 = arith.constant 11 : i32
    %dma_start3A_342 = arith.constant 384 : i32
    %dma_start3A_343 = arith.constant 0 : i32
    %dma_start3A_344 = tpu.memref_slice %arg10[%dma_start3A_342, %dma_start3A_343] : memref<512x64xf32, #tpu.memory_space<vmem>> -> memref<128x64xf32, #tpu.memory_space<vmem>>
    %dma_start3A_345 = arith.constant 0 : i32
    %dma_start3A_346 = tpu.memref_slice %arg7[%dma_start3A_341, %dma_start3A_345] : memref<20x128xi32, #tpu.memory_space<vmem>> -> memref<1x128xi32, #tpu.memory_space<vmem>>
    %dma_start3A_347 = tpu.memref_squeeze %dma_start3A_346 : memref<1x128xi32, #tpu.memory_space<vmem>> -> memref<128xi32, #tpu.memory_space<vmem>>
    %dma_start3A_348 = arith.constant 0 : i32
    %dma_start3A_349 = arith.constant 0 : i32
    %dma_start3A_350 = tpu.memref_slice %arg2[%dma_start3A_348, %dma_start3A_349] : memref<81920x64xf32, #tpu.memory_space<hbm>> -> memref<81920x64xf32, #tpu.memory_space<hbm>>
    tpu.enqueue_indirect_dma source(%dma_start3A_350 : memref<81920x64xf32, #tpu.memory_space<hbm>>) target(%dma_start3A_344 : memref<128x64xf32, #tpu.memory_space<vmem>>) offsets(%dma_start3A_347 : memref<128xi32, #tpu.memory_space<vmem>>) semaphore(%arg13 : memref<!tpu.dma_semaphore, #tpu.memory_space<semaphore_mem>>)
    %dma_wait3A_351 = arith.constant 8 : i32
    %dma_wait3A_352 = arith.constant 0 : i32
    %dma_wait3A_353 = arith.constant 0 : i32
    %dma_wait3A_354 = tpu.memref_slice %arg10[%dma_wait3A_352, %dma_wait3A_353] : memref<512x64xf32, #tpu.memory_space<vmem>> -> memref<128x64xf32, #tpu.memory_space<vmem>>
    %dma_wait3A_355 = arith.constant 0 : i32
    %dma_wait3A_356 = tpu.memref_slice %arg7[%dma_wait3A_351, %dma_wait3A_355] : memref<20x128xi32, #tpu.memory_space<vmem>> -> memref<1x128xi32, #tpu.memory_space<vmem>>
    %dma_wait3A_357 = tpu.memref_squeeze %dma_wait3A_356 : memref<1x128xi32, #tpu.memory_space<vmem>> -> memref<128xi32, #tpu.memory_space<vmem>>
    %dma_wait3A_358 = arith.constant 0 : i32
    %dma_wait3A_359 = arith.constant 0 : i32
    %dma_wait3A_360 = tpu.memref_slice %arg2[%dma_wait3A_358, %dma_wait3A_359] : memref<81920x64xf32, #tpu.memory_space<hbm>> -> memref<81920x64xf32, #tpu.memory_space<hbm>>
    tpu.wait_indirect_dma semaphore(%arg13 : memref<!tpu.dma_semaphore, #tpu.memory_space<semaphore_mem>>) src(%dma_wait3A_360 : memref<81920x64xf32, #tpu.memory_space<hbm>>) dst(%dma_wait3A_354 : memref<128x64xf32, #tpu.memory_space<vmem>>)
    %dma_wait3A_361 = arith.constant 9 : i32
    %dma_wait3A_362 = arith.constant 128 : i32
    %dma_wait3A_363 = arith.constant 0 : i32
    %dma_wait3A_364 = tpu.memref_slice %arg10[%dma_wait3A_362, %dma_wait3A_363] : memref<512x64xf32, #tpu.memory_space<vmem>> -> memref<128x64xf32, #tpu.memory_space<vmem>>
    %dma_wait3A_365 = arith.constant 0 : i32
    %dma_wait3A_366 = tpu.memref_slice %arg7[%dma_wait3A_361, %dma_wait3A_365] : memref<20x128xi32, #tpu.memory_space<vmem>> -> memref<1x128xi32, #tpu.memory_space<vmem>>
    %dma_wait3A_367 = tpu.memref_squeeze %dma_wait3A_366 : memref<1x128xi32, #tpu.memory_space<vmem>> -> memref<128xi32, #tpu.memory_space<vmem>>
    %dma_wait3A_368 = arith.constant 0 : i32
    %dma_wait3A_369 = arith.constant 0 : i32
    %dma_wait3A_370 = tpu.memref_slice %arg2[%dma_wait3A_368, %dma_wait3A_369] : memref<81920x64xf32, #tpu.memory_space<hbm>> -> memref<81920x64xf32, #tpu.memory_space<hbm>>
    tpu.wait_indirect_dma semaphore(%arg13 : memref<!tpu.dma_semaphore, #tpu.memory_space<semaphore_mem>>) src(%dma_wait3A_370 : memref<81920x64xf32, #tpu.memory_space<hbm>>) dst(%dma_wait3A_364 : memref<128x64xf32, #tpu.memory_space<vmem>>)
    %dma_wait3A_371 = arith.constant 10 : i32
    %dma_wait3A_372 = arith.constant 256 : i32
    %dma_wait3A_373 = arith.constant 0 : i32
    %dma_wait3A_374 = tpu.memref_slice %arg10[%dma_wait3A_372, %dma_wait3A_373] : memref<512x64xf32, #tpu.memory_space<vmem>> -> memref<128x64xf32, #tpu.memory_space<vmem>>
    %dma_wait3A_375 = arith.constant 0 : i32
    %dma_wait3A_376 = tpu.memref_slice %arg7[%dma_wait3A_371, %dma_wait3A_375] : memref<20x128xi32, #tpu.memory_space<vmem>> -> memref<1x128xi32, #tpu.memory_space<vmem>>
    %dma_wait3A_377 = tpu.memref_squeeze %dma_wait3A_376 : memref<1x128xi32, #tpu.memory_space<vmem>> -> memref<128xi32, #tpu.memory_space<vmem>>
    %dma_wait3A_378 = arith.constant 0 : i32
    %dma_wait3A_379 = arith.constant 0 : i32
    %dma_wait3A_380 = tpu.memref_slice %arg2[%dma_wait3A_378, %dma_wait3A_379] : memref<81920x64xf32, #tpu.memory_space<hbm>> -> memref<81920x64xf32, #tpu.memory_space<hbm>>
    tpu.wait_indirect_dma semaphore(%arg13 : memref<!tpu.dma_semaphore, #tpu.memory_space<semaphore_mem>>) src(%dma_wait3A_380 : memref<81920x64xf32, #tpu.memory_space<hbm>>) dst(%dma_wait3A_374 : memref<128x64xf32, #tpu.memory_space<vmem>>)
    %dma_wait3A_381 = arith.constant 11 : i32
    %dma_wait3A_382 = arith.constant 384 : i32
    %dma_wait3A_383 = arith.constant 0 : i32
    %dma_wait3A_384 = tpu.memref_slice %arg10[%dma_wait3A_382, %dma_wait3A_383] : memref<512x64xf32, #tpu.memory_space<vmem>> -> memref<128x64xf32, #tpu.memory_space<vmem>>
    %dma_wait3A_385 = arith.constant 0 : i32
    %dma_wait3A_386 = tpu.memref_slice %arg7[%dma_wait3A_381, %dma_wait3A_385] : memref<20x128xi32, #tpu.memory_space<vmem>> -> memref<1x128xi32, #tpu.memory_space<vmem>>
    %dma_wait3A_387 = tpu.memref_squeeze %dma_wait3A_386 : memref<1x128xi32, #tpu.memory_space<vmem>> -> memref<128xi32, #tpu.memory_space<vmem>>
    %dma_wait3A_388 = arith.constant 0 : i32
    %dma_wait3A_389 = arith.constant 0 : i32
    %dma_wait3A_390 = tpu.memref_slice %arg2[%dma_wait3A_388, %dma_wait3A_389] : memref<81920x64xf32, #tpu.memory_space<hbm>> -> memref<81920x64xf32, #tpu.memory_space<hbm>>
    tpu.wait_indirect_dma semaphore(%arg13 : memref<!tpu.dma_semaphore, #tpu.memory_space<semaphore_mem>>) src(%dma_wait3A_390 : memref<81920x64xf32, #tpu.memory_space<hbm>>) dst(%dma_wait3A_384 : memref<128x64xf32, #tpu.memory_space<vmem>>)
    %dma_start3A_391 = arith.constant 8 : i32
    %dma_start3A_392 = arith.constant 0 : i32
    %dma_start3A_393 = arith.constant 0 : i32
    %dma_start3A_394 = tpu.memref_slice %arg10[%dma_start3A_392, %dma_start3A_393] : memref<512x64xf32, #tpu.memory_space<vmem>> -> memref<128x64xf32, #tpu.memory_space<vmem>>
    %dma_start3A_395 = arith.constant 0 : i32
    %dma_start3A_396 = tpu.memref_slice %arg8[%dma_start3A_391, %dma_start3A_395] : memref<20x128xi32, #tpu.memory_space<vmem>> -> memref<1x128xi32, #tpu.memory_space<vmem>>
    %dma_start3A_397 = tpu.memref_squeeze %dma_start3A_396 : memref<1x128xi32, #tpu.memory_space<vmem>> -> memref<128xi32, #tpu.memory_space<vmem>>
    %dma_start3A_398 = arith.constant 0 : i32
    %dma_start3A_399 = arith.constant 0 : i32
    %dma_start3A_400 = tpu.memref_slice %arg6[%dma_start3A_398, %dma_start3A_399] : memref<81920x64xf32, #tpu.memory_space<hbm>> -> memref<81920x64xf32, #tpu.memory_space<hbm>>
    tpu.enqueue_indirect_dma source(%dma_start3A_394 : memref<128x64xf32, #tpu.memory_space<vmem>>) target(%dma_start3A_400 : memref<81920x64xf32, #tpu.memory_space<hbm>>) offsets(%dma_start3A_397 : memref<128xi32, #tpu.memory_space<vmem>>) semaphore(%arg14 : memref<!tpu.dma_semaphore, #tpu.memory_space<semaphore_mem>>)
    %dma_start3A_401 = arith.constant 9 : i32
    %dma_start3A_402 = arith.constant 128 : i32
    %dma_start3A_403 = arith.constant 0 : i32
    %dma_start3A_404 = tpu.memref_slice %arg10[%dma_start3A_402, %dma_start3A_403] : memref<512x64xf32, #tpu.memory_space<vmem>> -> memref<128x64xf32, #tpu.memory_space<vmem>>
    %dma_start3A_405 = arith.constant 0 : i32
    %dma_start3A_406 = tpu.memref_slice %arg8[%dma_start3A_401, %dma_start3A_405] : memref<20x128xi32, #tpu.memory_space<vmem>> -> memref<1x128xi32, #tpu.memory_space<vmem>>
    %dma_start3A_407 = tpu.memref_squeeze %dma_start3A_406 : memref<1x128xi32, #tpu.memory_space<vmem>> -> memref<128xi32, #tpu.memory_space<vmem>>
    %dma_start3A_408 = arith.constant 0 : i32
    %dma_start3A_409 = arith.constant 0 : i32
    %dma_start3A_410 = tpu.memref_slice %arg6[%dma_start3A_408, %dma_start3A_409] : memref<81920x64xf32, #tpu.memory_space<hbm>> -> memref<81920x64xf32, #tpu.memory_space<hbm>>
    tpu.enqueue_indirect_dma source(%dma_start3A_404 : memref<128x64xf32, #tpu.memory_space<vmem>>) target(%dma_start3A_410 : memref<81920x64xf32, #tpu.memory_space<hbm>>) offsets(%dma_start3A_407 : memref<128xi32, #tpu.memory_space<vmem>>) semaphore(%arg14 : memref<!tpu.dma_semaphore, #tpu.memory_space<semaphore_mem>>)
    %dma_start3A_411 = arith.constant 10 : i32
    %dma_start3A_412 = arith.constant 256 : i32
    %dma_start3A_413 = arith.constant 0 : i32
    %dma_start3A_414 = tpu.memref_slice %arg10[%dma_start3A_412, %dma_start3A_413] : memref<512x64xf32, #tpu.memory_space<vmem>> -> memref<128x64xf32, #tpu.memory_space<vmem>>
    %dma_start3A_415 = arith.constant 0 : i32
    %dma_start3A_416 = tpu.memref_slice %arg8[%dma_start3A_411, %dma_start3A_415] : memref<20x128xi32, #tpu.memory_space<vmem>> -> memref<1x128xi32, #tpu.memory_space<vmem>>
    %dma_start3A_417 = tpu.memref_squeeze %dma_start3A_416 : memref<1x128xi32, #tpu.memory_space<vmem>> -> memref<128xi32, #tpu.memory_space<vmem>>
    %dma_start3A_418 = arith.constant 0 : i32
    %dma_start3A_419 = arith.constant 0 : i32
    %dma_start3A_420 = tpu.memref_slice %arg6[%dma_start3A_418, %dma_start3A_419] : memref<81920x64xf32, #tpu.memory_space<hbm>> -> memref<81920x64xf32, #tpu.memory_space<hbm>>
    tpu.enqueue_indirect_dma source(%dma_start3A_414 : memref<128x64xf32, #tpu.memory_space<vmem>>) target(%dma_start3A_420 : memref<81920x64xf32, #tpu.memory_space<hbm>>) offsets(%dma_start3A_417 : memref<128xi32, #tpu.memory_space<vmem>>) semaphore(%arg14 : memref<!tpu.dma_semaphore, #tpu.memory_space<semaphore_mem>>)
    %dma_start3A_421 = arith.constant 11 : i32
    %dma_start3A_422 = arith.constant 384 : i32
    %dma_start3A_423 = arith.constant 0 : i32
    %dma_start3A_424 = tpu.memref_slice %arg10[%dma_start3A_422, %dma_start3A_423] : memref<512x64xf32, #tpu.memory_space<vmem>> -> memref<128x64xf32, #tpu.memory_space<vmem>>
    %dma_start3A_425 = arith.constant 0 : i32
    %dma_start3A_426 = tpu.memref_slice %arg8[%dma_start3A_421, %dma_start3A_425] : memref<20x128xi32, #tpu.memory_space<vmem>> -> memref<1x128xi32, #tpu.memory_space<vmem>>
    %dma_start3A_427 = tpu.memref_squeeze %dma_start3A_426 : memref<1x128xi32, #tpu.memory_space<vmem>> -> memref<128xi32, #tpu.memory_space<vmem>>
    %dma_start3A_428 = arith.constant 0 : i32
    %dma_start3A_429 = arith.constant 0 : i32
    %dma_start3A_430 = tpu.memref_slice %arg6[%dma_start3A_428, %dma_start3A_429] : memref<81920x64xf32, #tpu.memory_space<hbm>> -> memref<81920x64xf32, #tpu.memory_space<hbm>>
    tpu.enqueue_indirect_dma source(%dma_start3A_424 : memref<128x64xf32, #tpu.memory_space<vmem>>) target(%dma_start3A_430 : memref<81920x64xf32, #tpu.memory_space<hbm>>) offsets(%dma_start3A_427 : memref<128xi32, #tpu.memory_space<vmem>>) semaphore(%arg14 : memref<!tpu.dma_semaphore, #tpu.memory_space<semaphore_mem>>)
    %dma_wait3A_431 = arith.constant 4 : i32
    %dma_wait3A_432 = arith.constant 0 : i32
    %dma_wait3A_433 = arith.constant 0 : i32
    %dma_wait3A_434 = tpu.memref_slice %arg11[%dma_wait3A_432, %dma_wait3A_433] : memref<512x64xf32, #tpu.memory_space<vmem>> -> memref<128x64xf32, #tpu.memory_space<vmem>>
    %dma_wait3A_435 = arith.constant 0 : i32
    %dma_wait3A_436 = tpu.memref_slice %arg8[%dma_wait3A_431, %dma_wait3A_435] : memref<20x128xi32, #tpu.memory_space<vmem>> -> memref<1x128xi32, #tpu.memory_space<vmem>>
    %dma_wait3A_437 = tpu.memref_squeeze %dma_wait3A_436 : memref<1x128xi32, #tpu.memory_space<vmem>> -> memref<128xi32, #tpu.memory_space<vmem>>
    %dma_wait3A_438 = arith.constant 0 : i32
    %dma_wait3A_439 = arith.constant 0 : i32
    %dma_wait3A_440 = tpu.memref_slice %arg6[%dma_wait3A_438, %dma_wait3A_439] : memref<81920x64xf32, #tpu.memory_space<hbm>> -> memref<81920x64xf32, #tpu.memory_space<hbm>>
    tpu.wait_indirect_dma semaphore(%arg15 : memref<!tpu.dma_semaphore, #tpu.memory_space<semaphore_mem>>) src(%dma_wait3A_434 : memref<128x64xf32, #tpu.memory_space<vmem>>) dst(%dma_wait3A_440 : memref<81920x64xf32, #tpu.memory_space<hbm>>)
    %dma_wait3A_441 = arith.constant 5 : i32
    %dma_wait3A_442 = arith.constant 128 : i32
    %dma_wait3A_443 = arith.constant 0 : i32
    %dma_wait3A_444 = tpu.memref_slice %arg11[%dma_wait3A_442, %dma_wait3A_443] : memref<512x64xf32, #tpu.memory_space<vmem>> -> memref<128x64xf32, #tpu.memory_space<vmem>>
    %dma_wait3A_445 = arith.constant 0 : i32
    %dma_wait3A_446 = tpu.memref_slice %arg8[%dma_wait3A_441, %dma_wait3A_445] : memref<20x128xi32, #tpu.memory_space<vmem>> -> memref<1x128xi32, #tpu.memory_space<vmem>>
    %dma_wait3A_447 = tpu.memref_squeeze %dma_wait3A_446 : memref<1x128xi32, #tpu.memory_space<vmem>> -> memref<128xi32, #tpu.memory_space<vmem>>
    %dma_wait3A_448 = arith.constant 0 : i32
    %dma_wait3A_449 = arith.constant 0 : i32
    %dma_wait3A_450 = tpu.memref_slice %arg6[%dma_wait3A_448, %dma_wait3A_449] : memref<81920x64xf32, #tpu.memory_space<hbm>> -> memref<81920x64xf32, #tpu.memory_space<hbm>>
    tpu.wait_indirect_dma semaphore(%arg15 : memref<!tpu.dma_semaphore, #tpu.memory_space<semaphore_mem>>) src(%dma_wait3A_444 : memref<128x64xf32, #tpu.memory_space<vmem>>) dst(%dma_wait3A_450 : memref<81920x64xf32, #tpu.memory_space<hbm>>)
    %dma_wait3A_451 = arith.constant 6 : i32
    %dma_wait3A_452 = arith.constant 256 : i32
    %dma_wait3A_453 = arith.constant 0 : i32
    %dma_wait3A_454 = tpu.memref_slice %arg11[%dma_wait3A_452, %dma_wait3A_453] : memref<512x64xf32, #tpu.memory_space<vmem>> -> memref<128x64xf32, #tpu.memory_space<vmem>>
    %dma_wait3A_455 = arith.constant 0 : i32
    %dma_wait3A_456 = tpu.memref_slice %arg8[%dma_wait3A_451, %dma_wait3A_455] : memref<20x128xi32, #tpu.memory_space<vmem>> -> memref<1x128xi32, #tpu.memory_space<vmem>>
    %dma_wait3A_457 = tpu.memref_squeeze %dma_wait3A_456 : memref<1x128xi32, #tpu.memory_space<vmem>> -> memref<128xi32, #tpu.memory_space<vmem>>
    %dma_wait3A_458 = arith.constant 0 : i32
    %dma_wait3A_459 = arith.constant 0 : i32
    %dma_wait3A_460 = tpu.memref_slice %arg6[%dma_wait3A_458, %dma_wait3A_459] : memref<81920x64xf32, #tpu.memory_space<hbm>> -> memref<81920x64xf32, #tpu.memory_space<hbm>>
    tpu.wait_indirect_dma semaphore(%arg15 : memref<!tpu.dma_semaphore, #tpu.memory_space<semaphore_mem>>) src(%dma_wait3A_454 : memref<128x64xf32, #tpu.memory_space<vmem>>) dst(%dma_wait3A_460 : memref<81920x64xf32, #tpu.memory_space<hbm>>)
    %dma_wait3A_461 = arith.constant 7 : i32
    %dma_wait3A_462 = arith.constant 384 : i32
    %dma_wait3A_463 = arith.constant 0 : i32
    %dma_wait3A_464 = tpu.memref_slice %arg11[%dma_wait3A_462, %dma_wait3A_463] : memref<512x64xf32, #tpu.memory_space<vmem>> -> memref<128x64xf32, #tpu.memory_space<vmem>>
    %dma_wait3A_465 = arith.constant 0 : i32
    %dma_wait3A_466 = tpu.memref_slice %arg8[%dma_wait3A_461, %dma_wait3A_465] : memref<20x128xi32, #tpu.memory_space<vmem>> -> memref<1x128xi32, #tpu.memory_space<vmem>>
    %dma_wait3A_467 = tpu.memref_squeeze %dma_wait3A_466 : memref<1x128xi32, #tpu.memory_space<vmem>> -> memref<128xi32, #tpu.memory_space<vmem>>
    %dma_wait3A_468 = arith.constant 0 : i32
    %dma_wait3A_469 = arith.constant 0 : i32
    %dma_wait3A_470 = tpu.memref_slice %arg6[%dma_wait3A_468, %dma_wait3A_469] : memref<81920x64xf32, #tpu.memory_space<hbm>> -> memref<81920x64xf32, #tpu.memory_space<hbm>>
    tpu.wait_indirect_dma semaphore(%arg15 : memref<!tpu.dma_semaphore, #tpu.memory_space<semaphore_mem>>) src(%dma_wait3A_464 : memref<128x64xf32, #tpu.memory_space<vmem>>) dst(%dma_wait3A_470 : memref<81920x64xf32, #tpu.memory_space<hbm>>)
    %dma_start3A_471 = arith.constant 12 : i32
    %dma_start3A_472 = arith.constant 0 : i32
    %dma_start3A_473 = arith.constant 0 : i32
    %dma_start3A_474 = tpu.memref_slice %arg11[%dma_start3A_472, %dma_start3A_473] : memref<512x64xf32, #tpu.memory_space<vmem>> -> memref<128x64xf32, #tpu.memory_space<vmem>>
    %dma_start3A_475 = arith.constant 0 : i32
    %dma_start3A_476 = tpu.memref_slice %arg7[%dma_start3A_471, %dma_start3A_475] : memref<20x128xi32, #tpu.memory_space<vmem>> -> memref<1x128xi32, #tpu.memory_space<vmem>>
    %dma_start3A_477 = tpu.memref_squeeze %dma_start3A_476 : memref<1x128xi32, #tpu.memory_space<vmem>> -> memref<128xi32, #tpu.memory_space<vmem>>
    %dma_start3A_478 = arith.constant 0 : i32
    %dma_start3A_479 = arith.constant 0 : i32
    %dma_start3A_480 = tpu.memref_slice %arg2[%dma_start3A_478, %dma_start3A_479] : memref<81920x64xf32, #tpu.memory_space<hbm>> -> memref<81920x64xf32, #tpu.memory_space<hbm>>
    tpu.enqueue_indirect_dma source(%dma_start3A_480 : memref<81920x64xf32, #tpu.memory_space<hbm>>) target(%dma_start3A_474 : memref<128x64xf32, #tpu.memory_space<vmem>>) offsets(%dma_start3A_477 : memref<128xi32, #tpu.memory_space<vmem>>) semaphore(%arg13 : memref<!tpu.dma_semaphore, #tpu.memory_space<semaphore_mem>>)
    %dma_start3A_481 = arith.constant 13 : i32
    %dma_start3A_482 = arith.constant 128 : i32
    %dma_start3A_483 = arith.constant 0 : i32
    %dma_start3A_484 = tpu.memref_slice %arg11[%dma_start3A_482, %dma_start3A_483] : memref<512x64xf32, #tpu.memory_space<vmem>> -> memref<128x64xf32, #tpu.memory_space<vmem>>
    %dma_start3A_485 = arith.constant 0 : i32
    %dma_start3A_486 = tpu.memref_slice %arg7[%dma_start3A_481, %dma_start3A_485] : memref<20x128xi32, #tpu.memory_space<vmem>> -> memref<1x128xi32, #tpu.memory_space<vmem>>
    %dma_start3A_487 = tpu.memref_squeeze %dma_start3A_486 : memref<1x128xi32, #tpu.memory_space<vmem>> -> memref<128xi32, #tpu.memory_space<vmem>>
    %dma_start3A_488 = arith.constant 0 : i32
    %dma_start3A_489 = arith.constant 0 : i32
    %dma_start3A_490 = tpu.memref_slice %arg2[%dma_start3A_488, %dma_start3A_489] : memref<81920x64xf32, #tpu.memory_space<hbm>> -> memref<81920x64xf32, #tpu.memory_space<hbm>>
    tpu.enqueue_indirect_dma source(%dma_start3A_490 : memref<81920x64xf32, #tpu.memory_space<hbm>>) target(%dma_start3A_484 : memref<128x64xf32, #tpu.memory_space<vmem>>) offsets(%dma_start3A_487 : memref<128xi32, #tpu.memory_space<vmem>>) semaphore(%arg13 : memref<!tpu.dma_semaphore, #tpu.memory_space<semaphore_mem>>)
    %dma_start3A_491 = arith.constant 14 : i32
    %dma_start3A_492 = arith.constant 256 : i32
    %dma_start3A_493 = arith.constant 0 : i32
    %dma_start3A_494 = tpu.memref_slice %arg11[%dma_start3A_492, %dma_start3A_493] : memref<512x64xf32, #tpu.memory_space<vmem>> -> memref<128x64xf32, #tpu.memory_space<vmem>>
    %dma_start3A_495 = arith.constant 0 : i32
    %dma_start3A_496 = tpu.memref_slice %arg7[%dma_start3A_491, %dma_start3A_495] : memref<20x128xi32, #tpu.memory_space<vmem>> -> memref<1x128xi32, #tpu.memory_space<vmem>>
    %dma_start3A_497 = tpu.memref_squeeze %dma_start3A_496 : memref<1x128xi32, #tpu.memory_space<vmem>> -> memref<128xi32, #tpu.memory_space<vmem>>
    %dma_start3A_498 = arith.constant 0 : i32
    %dma_start3A_499 = arith.constant 0 : i32
    %dma_start3A_500 = tpu.memref_slice %arg2[%dma_start3A_498, %dma_start3A_499] : memref<81920x64xf32, #tpu.memory_space<hbm>> -> memref<81920x64xf32, #tpu.memory_space<hbm>>
    tpu.enqueue_indirect_dma source(%dma_start3A_500 : memref<81920x64xf32, #tpu.memory_space<hbm>>) target(%dma_start3A_494 : memref<128x64xf32, #tpu.memory_space<vmem>>) offsets(%dma_start3A_497 : memref<128xi32, #tpu.memory_space<vmem>>) semaphore(%arg13 : memref<!tpu.dma_semaphore, #tpu.memory_space<semaphore_mem>>)
    %dma_start3A_501 = arith.constant 15 : i32
    %dma_start3A_502 = arith.constant 384 : i32
    %dma_start3A_503 = arith.constant 0 : i32
    %dma_start3A_504 = tpu.memref_slice %arg11[%dma_start3A_502, %dma_start3A_503] : memref<512x64xf32, #tpu.memory_space<vmem>> -> memref<128x64xf32, #tpu.memory_space<vmem>>
    %dma_start3A_505 = arith.constant 0 : i32
    %dma_start3A_506 = tpu.memref_slice %arg7[%dma_start3A_501, %dma_start3A_505] : memref<20x128xi32, #tpu.memory_space<vmem>> -> memref<1x128xi32, #tpu.memory_space<vmem>>
    %dma_start3A_507 = tpu.memref_squeeze %dma_start3A_506 : memref<1x128xi32, #tpu.memory_space<vmem>> -> memref<128xi32, #tpu.memory_space<vmem>>
    %dma_start3A_508 = arith.constant 0 : i32
    %dma_start3A_509 = arith.constant 0 : i32
    %dma_start3A_510 = tpu.memref_slice %arg2[%dma_start3A_508, %dma_start3A_509] : memref<81920x64xf32, #tpu.memory_space<hbm>> -> memref<81920x64xf32, #tpu.memory_space<hbm>>
    tpu.enqueue_indirect_dma source(%dma_start3A_510 : memref<81920x64xf32, #tpu.memory_space<hbm>>) target(%dma_start3A_504 : memref<128x64xf32, #tpu.memory_space<vmem>>) offsets(%dma_start3A_507 : memref<128xi32, #tpu.memory_space<vmem>>) semaphore(%arg13 : memref<!tpu.dma_semaphore, #tpu.memory_space<semaphore_mem>>)
    %dma_wait3A_511 = arith.constant 12 : i32
    %dma_wait3A_512 = arith.constant 0 : i32
    %dma_wait3A_513 = arith.constant 0 : i32
    %dma_wait3A_514 = tpu.memref_slice %arg11[%dma_wait3A_512, %dma_wait3A_513] : memref<512x64xf32, #tpu.memory_space<vmem>> -> memref<128x64xf32, #tpu.memory_space<vmem>>
    %dma_wait3A_515 = arith.constant 0 : i32
    %dma_wait3A_516 = tpu.memref_slice %arg7[%dma_wait3A_511, %dma_wait3A_515] : memref<20x128xi32, #tpu.memory_space<vmem>> -> memref<1x128xi32, #tpu.memory_space<vmem>>
    %dma_wait3A_517 = tpu.memref_squeeze %dma_wait3A_516 : memref<1x128xi32, #tpu.memory_space<vmem>> -> memref<128xi32, #tpu.memory_space<vmem>>
    %dma_wait3A_518 = arith.constant 0 : i32
    %dma_wait3A_519 = arith.constant 0 : i32
    %dma_wait3A_520 = tpu.memref_slice %arg2[%dma_wait3A_518, %dma_wait3A_519] : memref<81920x64xf32, #tpu.memory_space<hbm>> -> memref<81920x64xf32, #tpu.memory_space<hbm>>
    tpu.wait_indirect_dma semaphore(%arg13 : memref<!tpu.dma_semaphore, #tpu.memory_space<semaphore_mem>>) src(%dma_wait3A_520 : memref<81920x64xf32, #tpu.memory_space<hbm>>) dst(%dma_wait3A_514 : memref<128x64xf32, #tpu.memory_space<vmem>>)
    %dma_wait3A_521 = arith.constant 13 : i32
    %dma_wait3A_522 = arith.constant 128 : i32
    %dma_wait3A_523 = arith.constant 0 : i32
    %dma_wait3A_524 = tpu.memref_slice %arg11[%dma_wait3A_522, %dma_wait3A_523] : memref<512x64xf32, #tpu.memory_space<vmem>> -> memref<128x64xf32, #tpu.memory_space<vmem>>
    %dma_wait3A_525 = arith.constant 0 : i32
    %dma_wait3A_526 = tpu.memref_slice %arg7[%dma_wait3A_521, %dma_wait3A_525] : memref<20x128xi32, #tpu.memory_space<vmem>> -> memref<1x128xi32, #tpu.memory_space<vmem>>
    %dma_wait3A_527 = tpu.memref_squeeze %dma_wait3A_526 : memref<1x128xi32, #tpu.memory_space<vmem>> -> memref<128xi32, #tpu.memory_space<vmem>>
    %dma_wait3A_528 = arith.constant 0 : i32
    %dma_wait3A_529 = arith.constant 0 : i32
    %dma_wait3A_530 = tpu.memref_slice %arg2[%dma_wait3A_528, %dma_wait3A_529] : memref<81920x64xf32, #tpu.memory_space<hbm>> -> memref<81920x64xf32, #tpu.memory_space<hbm>>
    tpu.wait_indirect_dma semaphore(%arg13 : memref<!tpu.dma_semaphore, #tpu.memory_space<semaphore_mem>>) src(%dma_wait3A_530 : memref<81920x64xf32, #tpu.memory_space<hbm>>) dst(%dma_wait3A_524 : memref<128x64xf32, #tpu.memory_space<vmem>>)
    %dma_wait3A_531 = arith.constant 14 : i32
    %dma_wait3A_532 = arith.constant 256 : i32
    %dma_wait3A_533 = arith.constant 0 : i32
    %dma_wait3A_534 = tpu.memref_slice %arg11[%dma_wait3A_532, %dma_wait3A_533] : memref<512x64xf32, #tpu.memory_space<vmem>> -> memref<128x64xf32, #tpu.memory_space<vmem>>
    %dma_wait3A_535 = arith.constant 0 : i32
    %dma_wait3A_536 = tpu.memref_slice %arg7[%dma_wait3A_531, %dma_wait3A_535] : memref<20x128xi32, #tpu.memory_space<vmem>> -> memref<1x128xi32, #tpu.memory_space<vmem>>
    %dma_wait3A_537 = tpu.memref_squeeze %dma_wait3A_536 : memref<1x128xi32, #tpu.memory_space<vmem>> -> memref<128xi32, #tpu.memory_space<vmem>>
    %dma_wait3A_538 = arith.constant 0 : i32
    %dma_wait3A_539 = arith.constant 0 : i32
    %dma_wait3A_540 = tpu.memref_slice %arg2[%dma_wait3A_538, %dma_wait3A_539] : memref<81920x64xf32, #tpu.memory_space<hbm>> -> memref<81920x64xf32, #tpu.memory_space<hbm>>
    tpu.wait_indirect_dma semaphore(%arg13 : memref<!tpu.dma_semaphore, #tpu.memory_space<semaphore_mem>>) src(%dma_wait3A_540 : memref<81920x64xf32, #tpu.memory_space<hbm>>) dst(%dma_wait3A_534 : memref<128x64xf32, #tpu.memory_space<vmem>>)
    %dma_wait3A_541 = arith.constant 15 : i32
    %dma_wait3A_542 = arith.constant 384 : i32
    %dma_wait3A_543 = arith.constant 0 : i32
    %dma_wait3A_544 = tpu.memref_slice %arg11[%dma_wait3A_542, %dma_wait3A_543] : memref<512x64xf32, #tpu.memory_space<vmem>> -> memref<128x64xf32, #tpu.memory_space<vmem>>
    %dma_wait3A_545 = arith.constant 0 : i32
    %dma_wait3A_546 = tpu.memref_slice %arg7[%dma_wait3A_541, %dma_wait3A_545] : memref<20x128xi32, #tpu.memory_space<vmem>> -> memref<1x128xi32, #tpu.memory_space<vmem>>
    %dma_wait3A_547 = tpu.memref_squeeze %dma_wait3A_546 : memref<1x128xi32, #tpu.memory_space<vmem>> -> memref<128xi32, #tpu.memory_space<vmem>>
    %dma_wait3A_548 = arith.constant 0 : i32
    %dma_wait3A_549 = arith.constant 0 : i32
    %dma_wait3A_550 = tpu.memref_slice %arg2[%dma_wait3A_548, %dma_wait3A_549] : memref<81920x64xf32, #tpu.memory_space<hbm>> -> memref<81920x64xf32, #tpu.memory_space<hbm>>
    tpu.wait_indirect_dma semaphore(%arg13 : memref<!tpu.dma_semaphore, #tpu.memory_space<semaphore_mem>>) src(%dma_wait3A_550 : memref<81920x64xf32, #tpu.memory_space<hbm>>) dst(%dma_wait3A_544 : memref<128x64xf32, #tpu.memory_space<vmem>>)
    %dma_start3A_551 = arith.constant 12 : i32
    %dma_start3A_552 = arith.constant 0 : i32
    %dma_start3A_553 = arith.constant 0 : i32
    %dma_start3A_554 = tpu.memref_slice %arg11[%dma_start3A_552, %dma_start3A_553] : memref<512x64xf32, #tpu.memory_space<vmem>> -> memref<128x64xf32, #tpu.memory_space<vmem>>
    %dma_start3A_555 = arith.constant 0 : i32
    %dma_start3A_556 = tpu.memref_slice %arg8[%dma_start3A_551, %dma_start3A_555] : memref<20x128xi32, #tpu.memory_space<vmem>> -> memref<1x128xi32, #tpu.memory_space<vmem>>
    %dma_start3A_557 = tpu.memref_squeeze %dma_start3A_556 : memref<1x128xi32, #tpu.memory_space<vmem>> -> memref<128xi32, #tpu.memory_space<vmem>>
    %dma_start3A_558 = arith.constant 0 : i32
    %dma_start3A_559 = arith.constant 0 : i32
    %dma_start3A_560 = tpu.memref_slice %arg6[%dma_start3A_558, %dma_start3A_559] : memref<81920x64xf32, #tpu.memory_space<hbm>> -> memref<81920x64xf32, #tpu.memory_space<hbm>>
    tpu.enqueue_indirect_dma source(%dma_start3A_554 : memref<128x64xf32, #tpu.memory_space<vmem>>) target(%dma_start3A_560 : memref<81920x64xf32, #tpu.memory_space<hbm>>) offsets(%dma_start3A_557 : memref<128xi32, #tpu.memory_space<vmem>>) semaphore(%arg15 : memref<!tpu.dma_semaphore, #tpu.memory_space<semaphore_mem>>)
    %dma_start3A_561 = arith.constant 13 : i32
    %dma_start3A_562 = arith.constant 128 : i32
    %dma_start3A_563 = arith.constant 0 : i32
    %dma_start3A_564 = tpu.memref_slice %arg11[%dma_start3A_562, %dma_start3A_563] : memref<512x64xf32, #tpu.memory_space<vmem>> -> memref<128x64xf32, #tpu.memory_space<vmem>>
    %dma_start3A_565 = arith.constant 0 : i32
    %dma_start3A_566 = tpu.memref_slice %arg8[%dma_start3A_561, %dma_start3A_565] : memref<20x128xi32, #tpu.memory_space<vmem>> -> memref<1x128xi32, #tpu.memory_space<vmem>>
    %dma_start3A_567 = tpu.memref_squeeze %dma_start3A_566 : memref<1x128xi32, #tpu.memory_space<vmem>> -> memref<128xi32, #tpu.memory_space<vmem>>
    %dma_start3A_568 = arith.constant 0 : i32
    %dma_start3A_569 = arith.constant 0 : i32
    %dma_start3A_570 = tpu.memref_slice %arg6[%dma_start3A_568, %dma_start3A_569] : memref<81920x64xf32, #tpu.memory_space<hbm>> -> memref<81920x64xf32, #tpu.memory_space<hbm>>
    tpu.enqueue_indirect_dma source(%dma_start3A_564 : memref<128x64xf32, #tpu.memory_space<vmem>>) target(%dma_start3A_570 : memref<81920x64xf32, #tpu.memory_space<hbm>>) offsets(%dma_start3A_567 : memref<128xi32, #tpu.memory_space<vmem>>) semaphore(%arg15 : memref<!tpu.dma_semaphore, #tpu.memory_space<semaphore_mem>>)
    %dma_start3A_571 = arith.constant 14 : i32
    %dma_start3A_572 = arith.constant 256 : i32
    %dma_start3A_573 = arith.constant 0 : i32
    %dma_start3A_574 = tpu.memref_slice %arg11[%dma_start3A_572, %dma_start3A_573] : memref<512x64xf32, #tpu.memory_space<vmem>> -> memref<128x64xf32, #tpu.memory_space<vmem>>
    %dma_start3A_575 = arith.constant 0 : i32
    %dma_start3A_576 = tpu.memref_slice %arg8[%dma_start3A_571, %dma_start3A_575] : memref<20x128xi32, #tpu.memory_space<vmem>> -> memref<1x128xi32, #tpu.memory_space<vmem>>
    %dma_start3A_577 = tpu.memref_squeeze %dma_start3A_576 : memref<1x128xi32, #tpu.memory_space<vmem>> -> memref<128xi32, #tpu.memory_space<vmem>>
    %dma_start3A_578 = arith.constant 0 : i32
    %dma_start3A_579 = arith.constant 0 : i32
    %dma_start3A_580 = tpu.memref_slice %arg6[%dma_start3A_578, %dma_start3A_579] : memref<81920x64xf32, #tpu.memory_space<hbm>> -> memref<81920x64xf32, #tpu.memory_space<hbm>>
    tpu.enqueue_indirect_dma source(%dma_start3A_574 : memref<128x64xf32, #tpu.memory_space<vmem>>) target(%dma_start3A_580 : memref<81920x64xf32, #tpu.memory_space<hbm>>) offsets(%dma_start3A_577 : memref<128xi32, #tpu.memory_space<vmem>>) semaphore(%arg15 : memref<!tpu.dma_semaphore, #tpu.memory_space<semaphore_mem>>)
    %dma_start3A_581 = arith.constant 15 : i32
    %dma_start3A_582 = arith.constant 384 : i32
    %dma_start3A_583 = arith.constant 0 : i32
    %dma_start3A_584 = tpu.memref_slice %arg11[%dma_start3A_582, %dma_start3A_583] : memref<512x64xf32, #tpu.memory_space<vmem>> -> memref<128x64xf32, #tpu.memory_space<vmem>>
    %dma_start3A_585 = arith.constant 0 : i32
    %dma_start3A_586 = tpu.memref_slice %arg8[%dma_start3A_581, %dma_start3A_585] : memref<20x128xi32, #tpu.memory_space<vmem>> -> memref<1x128xi32, #tpu.memory_space<vmem>>
    %dma_start3A_587 = tpu.memref_squeeze %dma_start3A_586 : memref<1x128xi32, #tpu.memory_space<vmem>> -> memref<128xi32, #tpu.memory_space<vmem>>
    %dma_start3A_588 = arith.constant 0 : i32
    %dma_start3A_589 = arith.constant 0 : i32
    %dma_start3A_590 = tpu.memref_slice %arg6[%dma_start3A_588, %dma_start3A_589] : memref<81920x64xf32, #tpu.memory_space<hbm>> -> memref<81920x64xf32, #tpu.memory_space<hbm>>
    tpu.enqueue_indirect_dma source(%dma_start3A_584 : memref<128x64xf32, #tpu.memory_space<vmem>>) target(%dma_start3A_590 : memref<81920x64xf32, #tpu.memory_space<hbm>>) offsets(%dma_start3A_587 : memref<128xi32, #tpu.memory_space<vmem>>) semaphore(%arg15 : memref<!tpu.dma_semaphore, #tpu.memory_space<semaphore_mem>>)
    %dma_wait3A_591 = arith.constant 8 : i32
    %dma_wait3A_592 = arith.constant 0 : i32
    %dma_wait3A_593 = arith.constant 0 : i32
    %dma_wait3A_594 = tpu.memref_slice %arg10[%dma_wait3A_592, %dma_wait3A_593] : memref<512x64xf32, #tpu.memory_space<vmem>> -> memref<128x64xf32, #tpu.memory_space<vmem>>
    %dma_wait3A_595 = arith.constant 0 : i32
    %dma_wait3A_596 = tpu.memref_slice %arg8[%dma_wait3A_591, %dma_wait3A_595] : memref<20x128xi32, #tpu.memory_space<vmem>> -> memref<1x128xi32, #tpu.memory_space<vmem>>
    %dma_wait3A_597 = tpu.memref_squeeze %dma_wait3A_596 : memref<1x128xi32, #tpu.memory_space<vmem>> -> memref<128xi32, #tpu.memory_space<vmem>>
    %dma_wait3A_598 = arith.constant 0 : i32
    %dma_wait3A_599 = arith.constant 0 : i32
    %dma_wait3A_600 = tpu.memref_slice %arg6[%dma_wait3A_598, %dma_wait3A_599] : memref<81920x64xf32, #tpu.memory_space<hbm>> -> memref<81920x64xf32, #tpu.memory_space<hbm>>
    tpu.wait_indirect_dma semaphore(%arg14 : memref<!tpu.dma_semaphore, #tpu.memory_space<semaphore_mem>>) src(%dma_wait3A_594 : memref<128x64xf32, #tpu.memory_space<vmem>>) dst(%dma_wait3A_600 : memref<81920x64xf32, #tpu.memory_space<hbm>>)
    %dma_wait3A_601 = arith.constant 9 : i32
    %dma_wait3A_602 = arith.constant 128 : i32
    %dma_wait3A_603 = arith.constant 0 : i32
    %dma_wait3A_604 = tpu.memref_slice %arg10[%dma_wait3A_602, %dma_wait3A_603] : memref<512x64xf32, #tpu.memory_space<vmem>> -> memref<128x64xf32, #tpu.memory_space<vmem>>
    %dma_wait3A_605 = arith.constant 0 : i32
    %dma_wait3A_606 = tpu.memref_slice %arg8[%dma_wait3A_601, %dma_wait3A_605] : memref<20x128xi32, #tpu.memory_space<vmem>> -> memref<1x128xi32, #tpu.memory_space<vmem>>
    %dma_wait3A_607 = tpu.memref_squeeze %dma_wait3A_606 : memref<1x128xi32, #tpu.memory_space<vmem>> -> memref<128xi32, #tpu.memory_space<vmem>>
    %dma_wait3A_608 = arith.constant 0 : i32
    %dma_wait3A_609 = arith.constant 0 : i32
    %dma_wait3A_610 = tpu.memref_slice %arg6[%dma_wait3A_608, %dma_wait3A_609] : memref<81920x64xf32, #tpu.memory_space<hbm>> -> memref<81920x64xf32, #tpu.memory_space<hbm>>
    tpu.wait_indirect_dma semaphore(%arg14 : memref<!tpu.dma_semaphore, #tpu.memory_space<semaphore_mem>>) src(%dma_wait3A_604 : memref<128x64xf32, #tpu.memory_space<vmem>>) dst(%dma_wait3A_610 : memref<81920x64xf32, #tpu.memory_space<hbm>>)
    %dma_wait3A_611 = arith.constant 10 : i32
    %dma_wait3A_612 = arith.constant 256 : i32
    %dma_wait3A_613 = arith.constant 0 : i32
    %dma_wait3A_614 = tpu.memref_slice %arg10[%dma_wait3A_612, %dma_wait3A_613] : memref<512x64xf32, #tpu.memory_space<vmem>> -> memref<128x64xf32, #tpu.memory_space<vmem>>
    %dma_wait3A_615 = arith.constant 0 : i32
    %dma_wait3A_616 = tpu.memref_slice %arg8[%dma_wait3A_611, %dma_wait3A_615] : memref<20x128xi32, #tpu.memory_space<vmem>> -> memref<1x128xi32, #tpu.memory_space<vmem>>
    %dma_wait3A_617 = tpu.memref_squeeze %dma_wait3A_616 : memref<1x128xi32, #tpu.memory_space<vmem>> -> memref<128xi32, #tpu.memory_space<vmem>>
    %dma_wait3A_618 = arith.constant 0 : i32
    %dma_wait3A_619 = arith.constant 0 : i32
    %dma_wait3A_620 = tpu.memref_slice %arg6[%dma_wait3A_618, %dma_wait3A_619] : memref<81920x64xf32, #tpu.memory_space<hbm>> -> memref<81920x64xf32, #tpu.memory_space<hbm>>
    tpu.wait_indirect_dma semaphore(%arg14 : memref<!tpu.dma_semaphore, #tpu.memory_space<semaphore_mem>>) src(%dma_wait3A_614 : memref<128x64xf32, #tpu.memory_space<vmem>>) dst(%dma_wait3A_620 : memref<81920x64xf32, #tpu.memory_space<hbm>>)
    %dma_wait3A_621 = arith.constant 11 : i32
    %dma_wait3A_622 = arith.constant 384 : i32
    %dma_wait3A_623 = arith.constant 0 : i32
    %dma_wait3A_624 = tpu.memref_slice %arg10[%dma_wait3A_622, %dma_wait3A_623] : memref<512x64xf32, #tpu.memory_space<vmem>> -> memref<128x64xf32, #tpu.memory_space<vmem>>
    %dma_wait3A_625 = arith.constant 0 : i32
    %dma_wait3A_626 = tpu.memref_slice %arg8[%dma_wait3A_621, %dma_wait3A_625] : memref<20x128xi32, #tpu.memory_space<vmem>> -> memref<1x128xi32, #tpu.memory_space<vmem>>
    %dma_wait3A_627 = tpu.memref_squeeze %dma_wait3A_626 : memref<1x128xi32, #tpu.memory_space<vmem>> -> memref<128xi32, #tpu.memory_space<vmem>>
    %dma_wait3A_628 = arith.constant 0 : i32
    %dma_wait3A_629 = arith.constant 0 : i32
    %dma_wait3A_630 = tpu.memref_slice %arg6[%dma_wait3A_628, %dma_wait3A_629] : memref<81920x64xf32, #tpu.memory_space<hbm>> -> memref<81920x64xf32, #tpu.memory_space<hbm>>
    tpu.wait_indirect_dma semaphore(%arg14 : memref<!tpu.dma_semaphore, #tpu.memory_space<semaphore_mem>>) src(%dma_wait3A_624 : memref<128x64xf32, #tpu.memory_space<vmem>>) dst(%dma_wait3A_630 : memref<81920x64xf32, #tpu.memory_space<hbm>>)
    %dma_start3A_631 = arith.constant 16 : i32
    %dma_start3A_632 = arith.constant 0 : i32
    %dma_start3A_633 = arith.constant 0 : i32
    %dma_start3A_634 = tpu.memref_slice %arg10[%dma_start3A_632, %dma_start3A_633] : memref<512x64xf32, #tpu.memory_space<vmem>> -> memref<128x64xf32, #tpu.memory_space<vmem>>
    %dma_start3A_635 = arith.constant 0 : i32
    %dma_start3A_636 = tpu.memref_slice %arg7[%dma_start3A_631, %dma_start3A_635] : memref<20x128xi32, #tpu.memory_space<vmem>> -> memref<1x128xi32, #tpu.memory_space<vmem>>
    %dma_start3A_637 = tpu.memref_squeeze %dma_start3A_636 : memref<1x128xi32, #tpu.memory_space<vmem>> -> memref<128xi32, #tpu.memory_space<vmem>>
    %dma_start3A_638 = arith.constant 0 : i32
    %dma_start3A_639 = arith.constant 0 : i32
    %dma_start3A_640 = tpu.memref_slice %arg2[%dma_start3A_638, %dma_start3A_639] : memref<81920x64xf32, #tpu.memory_space<hbm>> -> memref<81920x64xf32, #tpu.memory_space<hbm>>
    tpu.enqueue_indirect_dma source(%dma_start3A_640 : memref<81920x64xf32, #tpu.memory_space<hbm>>) target(%dma_start3A_634 : memref<128x64xf32, #tpu.memory_space<vmem>>) offsets(%dma_start3A_637 : memref<128xi32, #tpu.memory_space<vmem>>) semaphore(%arg13 : memref<!tpu.dma_semaphore, #tpu.memory_space<semaphore_mem>>)
    %dma_start3A_641 = arith.constant 17 : i32
    %dma_start3A_642 = arith.constant 128 : i32
    %dma_start3A_643 = arith.constant 0 : i32
    %dma_start3A_644 = tpu.memref_slice %arg10[%dma_start3A_642, %dma_start3A_643] : memref<512x64xf32, #tpu.memory_space<vmem>> -> memref<128x64xf32, #tpu.memory_space<vmem>>
    %dma_start3A_645 = arith.constant 0 : i32
    %dma_start3A_646 = tpu.memref_slice %arg7[%dma_start3A_641, %dma_start3A_645] : memref<20x128xi32, #tpu.memory_space<vmem>> -> memref<1x128xi32, #tpu.memory_space<vmem>>
    %dma_start3A_647 = tpu.memref_squeeze %dma_start3A_646 : memref<1x128xi32, #tpu.memory_space<vmem>> -> memref<128xi32, #tpu.memory_space<vmem>>
    %dma_start3A_648 = arith.constant 0 : i32
    %dma_start3A_649 = arith.constant 0 : i32
    %dma_start3A_650 = tpu.memref_slice %arg2[%dma_start3A_648, %dma_start3A_649] : memref<81920x64xf32, #tpu.memory_space<hbm>> -> memref<81920x64xf32, #tpu.memory_space<hbm>>
    tpu.enqueue_indirect_dma source(%dma_start3A_650 : memref<81920x64xf32, #tpu.memory_space<hbm>>) target(%dma_start3A_644 : memref<128x64xf32, #tpu.memory_space<vmem>>) offsets(%dma_start3A_647 : memref<128xi32, #tpu.memory_space<vmem>>) semaphore(%arg13 : memref<!tpu.dma_semaphore, #tpu.memory_space<semaphore_mem>>)
    %dma_start3A_651 = arith.constant 18 : i32
    %dma_start3A_652 = arith.constant 256 : i32
    %dma_start3A_653 = arith.constant 0 : i32
    %dma_start3A_654 = tpu.memref_slice %arg10[%dma_start3A_652, %dma_start3A_653] : memref<512x64xf32, #tpu.memory_space<vmem>> -> memref<128x64xf32, #tpu.memory_space<vmem>>
    %dma_start3A_655 = arith.constant 0 : i32
    %dma_start3A_656 = tpu.memref_slice %arg7[%dma_start3A_651, %dma_start3A_655] : memref<20x128xi32, #tpu.memory_space<vmem>> -> memref<1x128xi32, #tpu.memory_space<vmem>>
    %dma_start3A_657 = tpu.memref_squeeze %dma_start3A_656 : memref<1x128xi32, #tpu.memory_space<vmem>> -> memref<128xi32, #tpu.memory_space<vmem>>
    %dma_start3A_658 = arith.constant 0 : i32
    %dma_start3A_659 = arith.constant 0 : i32
    %dma_start3A_660 = tpu.memref_slice %arg2[%dma_start3A_658, %dma_start3A_659] : memref<81920x64xf32, #tpu.memory_space<hbm>> -> memref<81920x64xf32, #tpu.memory_space<hbm>>
    tpu.enqueue_indirect_dma source(%dma_start3A_660 : memref<81920x64xf32, #tpu.memory_space<hbm>>) target(%dma_start3A_654 : memref<128x64xf32, #tpu.memory_space<vmem>>) offsets(%dma_start3A_657 : memref<128xi32, #tpu.memory_space<vmem>>) semaphore(%arg13 : memref<!tpu.dma_semaphore, #tpu.memory_space<semaphore_mem>>)
    %dma_start3A_661 = arith.constant 19 : i32
    %dma_start3A_662 = arith.constant 384 : i32
    %dma_start3A_663 = arith.constant 0 : i32
    %dma_start3A_664 = tpu.memref_slice %arg10[%dma_start3A_662, %dma_start3A_663] : memref<512x64xf32, #tpu.memory_space<vmem>> -> memref<128x64xf32, #tpu.memory_space<vmem>>
    %dma_start3A_665 = arith.constant 0 : i32
    %dma_start3A_666 = tpu.memref_slice %arg7[%dma_start3A_661, %dma_start3A_665] : memref<20x128xi32, #tpu.memory_space<vmem>> -> memref<1x128xi32, #tpu.memory_space<vmem>>
    %dma_start3A_667 = tpu.memref_squeeze %dma_start3A_666 : memref<1x128xi32, #tpu.memory_space<vmem>> -> memref<128xi32, #tpu.memory_space<vmem>>
    %dma_start3A_668 = arith.constant 0 : i32
    %dma_start3A_669 = arith.constant 0 : i32
    %dma_start3A_670 = tpu.memref_slice %arg2[%dma_start3A_668, %dma_start3A_669] : memref<81920x64xf32, #tpu.memory_space<hbm>> -> memref<81920x64xf32, #tpu.memory_space<hbm>>
    tpu.enqueue_indirect_dma source(%dma_start3A_670 : memref<81920x64xf32, #tpu.memory_space<hbm>>) target(%dma_start3A_664 : memref<128x64xf32, #tpu.memory_space<vmem>>) offsets(%dma_start3A_667 : memref<128xi32, #tpu.memory_space<vmem>>) semaphore(%arg13 : memref<!tpu.dma_semaphore, #tpu.memory_space<semaphore_mem>>)
    %dma_wait3A_671 = arith.constant 16 : i32
    %dma_wait3A_672 = arith.constant 0 : i32
    %dma_wait3A_673 = arith.constant 0 : i32
    %dma_wait3A_674 = tpu.memref_slice %arg10[%dma_wait3A_672, %dma_wait3A_673] : memref<512x64xf32, #tpu.memory_space<vmem>> -> memref<128x64xf32, #tpu.memory_space<vmem>>
    %dma_wait3A_675 = arith.constant 0 : i32
    %dma_wait3A_676 = tpu.memref_slice %arg7[%dma_wait3A_671, %dma_wait3A_675] : memref<20x128xi32, #tpu.memory_space<vmem>> -> memref<1x128xi32, #tpu.memory_space<vmem>>
    %dma_wait3A_677 = tpu.memref_squeeze %dma_wait3A_676 : memref<1x128xi32, #tpu.memory_space<vmem>> -> memref<128xi32, #tpu.memory_space<vmem>>
    %dma_wait3A_678 = arith.constant 0 : i32
    %dma_wait3A_679 = arith.constant 0 : i32
    %dma_wait3A_680 = tpu.memref_slice %arg2[%dma_wait3A_678, %dma_wait3A_679] : memref<81920x64xf32, #tpu.memory_space<hbm>> -> memref<81920x64xf32, #tpu.memory_space<hbm>>
    tpu.wait_indirect_dma semaphore(%arg13 : memref<!tpu.dma_semaphore, #tpu.memory_space<semaphore_mem>>) src(%dma_wait3A_680 : memref<81920x64xf32, #tpu.memory_space<hbm>>) dst(%dma_wait3A_674 : memref<128x64xf32, #tpu.memory_space<vmem>>)
    %dma_wait3A_681 = arith.constant 17 : i32
    %dma_wait3A_682 = arith.constant 128 : i32
    %dma_wait3A_683 = arith.constant 0 : i32
    %dma_wait3A_684 = tpu.memref_slice %arg10[%dma_wait3A_682, %dma_wait3A_683] : memref<512x64xf32, #tpu.memory_space<vmem>> -> memref<128x64xf32, #tpu.memory_space<vmem>>
    %dma_wait3A_685 = arith.constant 0 : i32
    %dma_wait3A_686 = tpu.memref_slice %arg7[%dma_wait3A_681, %dma_wait3A_685] : memref<20x128xi32, #tpu.memory_space<vmem>> -> memref<1x128xi32, #tpu.memory_space<vmem>>
    %dma_wait3A_687 = tpu.memref_squeeze %dma_wait3A_686 : memref<1x128xi32, #tpu.memory_space<vmem>> -> memref<128xi32, #tpu.memory_space<vmem>>
    %dma_wait3A_688 = arith.constant 0 : i32
    %dma_wait3A_689 = arith.constant 0 : i32
    %dma_wait3A_690 = tpu.memref_slice %arg2[%dma_wait3A_688, %dma_wait3A_689] : memref<81920x64xf32, #tpu.memory_space<hbm>> -> memref<81920x64xf32, #tpu.memory_space<hbm>>
    tpu.wait_indirect_dma semaphore(%arg13 : memref<!tpu.dma_semaphore, #tpu.memory_space<semaphore_mem>>) src(%dma_wait3A_690 : memref<81920x64xf32, #tpu.memory_space<hbm>>) dst(%dma_wait3A_684 : memref<128x64xf32, #tpu.memory_space<vmem>>)
    %dma_wait3A_691 = arith.constant 18 : i32
    %dma_wait3A_692 = arith.constant 256 : i32
    %dma_wait3A_693 = arith.constant 0 : i32
    %dma_wait3A_694 = tpu.memref_slice %arg10[%dma_wait3A_692, %dma_wait3A_693] : memref<512x64xf32, #tpu.memory_space<vmem>> -> memref<128x64xf32, #tpu.memory_space<vmem>>
    %dma_wait3A_695 = arith.constant 0 : i32
    %dma_wait3A_696 = tpu.memref_slice %arg7[%dma_wait3A_691, %dma_wait3A_695] : memref<20x128xi32, #tpu.memory_space<vmem>> -> memref<1x128xi32, #tpu.memory_space<vmem>>
    %dma_wait3A_697 = tpu.memref_squeeze %dma_wait3A_696 : memref<1x128xi32, #tpu.memory_space<vmem>> -> memref<128xi32, #tpu.memory_space<vmem>>
    %dma_wait3A_698 = arith.constant 0 : i32
    %dma_wait3A_699 = arith.constant 0 : i32
    %dma_wait3A_700 = tpu.memref_slice %arg2[%dma_wait3A_698, %dma_wait3A_699] : memref<81920x64xf32, #tpu.memory_space<hbm>> -> memref<81920x64xf32, #tpu.memory_space<hbm>>
    tpu.wait_indirect_dma semaphore(%arg13 : memref<!tpu.dma_semaphore, #tpu.memory_space<semaphore_mem>>) src(%dma_wait3A_700 : memref<81920x64xf32, #tpu.memory_space<hbm>>) dst(%dma_wait3A_694 : memref<128x64xf32, #tpu.memory_space<vmem>>)
    %dma_wait3A_701 = arith.constant 19 : i32
    %dma_wait3A_702 = arith.constant 384 : i32
    %dma_wait3A_703 = arith.constant 0 : i32
    %dma_wait3A_704 = tpu.memref_slice %arg10[%dma_wait3A_702, %dma_wait3A_703] : memref<512x64xf32, #tpu.memory_space<vmem>> -> memref<128x64xf32, #tpu.memory_space<vmem>>
    %dma_wait3A_705 = arith.constant 0 : i32
    %dma_wait3A_706 = tpu.memref_slice %arg7[%dma_wait3A_701, %dma_wait3A_705] : memref<20x128xi32, #tpu.memory_space<vmem>> -> memref<1x128xi32, #tpu.memory_space<vmem>>
    %dma_wait3A_707 = tpu.memref_squeeze %dma_wait3A_706 : memref<1x128xi32, #tpu.memory_space<vmem>> -> memref<128xi32, #tpu.memory_space<vmem>>
    %dma_wait3A_708 = arith.constant 0 : i32
    %dma_wait3A_709 = arith.constant 0 : i32
    %dma_wait3A_710 = tpu.memref_slice %arg2[%dma_wait3A_708, %dma_wait3A_709] : memref<81920x64xf32, #tpu.memory_space<hbm>> -> memref<81920x64xf32, #tpu.memory_space<hbm>>
    tpu.wait_indirect_dma semaphore(%arg13 : memref<!tpu.dma_semaphore, #tpu.memory_space<semaphore_mem>>) src(%dma_wait3A_710 : memref<81920x64xf32, #tpu.memory_space<hbm>>) dst(%dma_wait3A_704 : memref<128x64xf32, #tpu.memory_space<vmem>>)
    %dma_start3A_711 = arith.constant 16 : i32
    %dma_start3A_712 = arith.constant 0 : i32
    %dma_start3A_713 = arith.constant 0 : i32
    %dma_start3A_714 = tpu.memref_slice %arg10[%dma_start3A_712, %dma_start3A_713] : memref<512x64xf32, #tpu.memory_space<vmem>> -> memref<128x64xf32, #tpu.memory_space<vmem>>
    %dma_start3A_715 = arith.constant 0 : i32
    %dma_start3A_716 = tpu.memref_slice %arg8[%dma_start3A_711, %dma_start3A_715] : memref<20x128xi32, #tpu.memory_space<vmem>> -> memref<1x128xi32, #tpu.memory_space<vmem>>
    %dma_start3A_717 = tpu.memref_squeeze %dma_start3A_716 : memref<1x128xi32, #tpu.memory_space<vmem>> -> memref<128xi32, #tpu.memory_space<vmem>>
    %dma_start3A_718 = arith.constant 0 : i32
    %dma_start3A_719 = arith.constant 0 : i32
    %dma_start3A_720 = tpu.memref_slice %arg6[%dma_start3A_718, %dma_start3A_719] : memref<81920x64xf32, #tpu.memory_space<hbm>> -> memref<81920x64xf32, #tpu.memory_space<hbm>>
    tpu.enqueue_indirect_dma source(%dma_start3A_714 : memref<128x64xf32, #tpu.memory_space<vmem>>) target(%dma_start3A_720 : memref<81920x64xf32, #tpu.memory_space<hbm>>) offsets(%dma_start3A_717 : memref<128xi32, #tpu.memory_space<vmem>>) semaphore(%arg14 : memref<!tpu.dma_semaphore, #tpu.memory_space<semaphore_mem>>)
    %dma_start3A_721 = arith.constant 17 : i32
    %dma_start3A_722 = arith.constant 128 : i32
    %dma_start3A_723 = arith.constant 0 : i32
    %dma_start3A_724 = tpu.memref_slice %arg10[%dma_start3A_722, %dma_start3A_723] : memref<512x64xf32, #tpu.memory_space<vmem>> -> memref<128x64xf32, #tpu.memory_space<vmem>>
    %dma_start3A_725 = arith.constant 0 : i32
    %dma_start3A_726 = tpu.memref_slice %arg8[%dma_start3A_721, %dma_start3A_725] : memref<20x128xi32, #tpu.memory_space<vmem>> -> memref<1x128xi32, #tpu.memory_space<vmem>>
    %dma_start3A_727 = tpu.memref_squeeze %dma_start3A_726 : memref<1x128xi32, #tpu.memory_space<vmem>> -> memref<128xi32, #tpu.memory_space<vmem>>
    %dma_start3A_728 = arith.constant 0 : i32
    %dma_start3A_729 = arith.constant 0 : i32
    %dma_start3A_730 = tpu.memref_slice %arg6[%dma_start3A_728, %dma_start3A_729] : memref<81920x64xf32, #tpu.memory_space<hbm>> -> memref<81920x64xf32, #tpu.memory_space<hbm>>
    tpu.enqueue_indirect_dma source(%dma_start3A_724 : memref<128x64xf32, #tpu.memory_space<vmem>>) target(%dma_start3A_730 : memref<81920x64xf32, #tpu.memory_space<hbm>>) offsets(%dma_start3A_727 : memref<128xi32, #tpu.memory_space<vmem>>) semaphore(%arg14 : memref<!tpu.dma_semaphore, #tpu.memory_space<semaphore_mem>>)
    %dma_start3A_731 = arith.constant 18 : i32
    %dma_start3A_732 = arith.constant 256 : i32
    %dma_start3A_733 = arith.constant 0 : i32
    %dma_start3A_734 = tpu.memref_slice %arg10[%dma_start3A_732, %dma_start3A_733] : memref<512x64xf32, #tpu.memory_space<vmem>> -> memref<128x64xf32, #tpu.memory_space<vmem>>
    %dma_start3A_735 = arith.constant 0 : i32
    %dma_start3A_736 = tpu.memref_slice %arg8[%dma_start3A_731, %dma_start3A_735] : memref<20x128xi32, #tpu.memory_space<vmem>> -> memref<1x128xi32, #tpu.memory_space<vmem>>
    %dma_start3A_737 = tpu.memref_squeeze %dma_start3A_736 : memref<1x128xi32, #tpu.memory_space<vmem>> -> memref<128xi32, #tpu.memory_space<vmem>>
    %dma_start3A_738 = arith.constant 0 : i32
    %dma_start3A_739 = arith.constant 0 : i32
    %dma_start3A_740 = tpu.memref_slice %arg6[%dma_start3A_738, %dma_start3A_739] : memref<81920x64xf32, #tpu.memory_space<hbm>> -> memref<81920x64xf32, #tpu.memory_space<hbm>>
    tpu.enqueue_indirect_dma source(%dma_start3A_734 : memref<128x64xf32, #tpu.memory_space<vmem>>) target(%dma_start3A_740 : memref<81920x64xf32, #tpu.memory_space<hbm>>) offsets(%dma_start3A_737 : memref<128xi32, #tpu.memory_space<vmem>>) semaphore(%arg14 : memref<!tpu.dma_semaphore, #tpu.memory_space<semaphore_mem>>)
    %dma_start3A_741 = arith.constant 19 : i32
    %dma_start3A_742 = arith.constant 384 : i32
    %dma_start3A_743 = arith.constant 0 : i32
    %dma_start3A_744 = tpu.memref_slice %arg10[%dma_start3A_742, %dma_start3A_743] : memref<512x64xf32, #tpu.memory_space<vmem>> -> memref<128x64xf32, #tpu.memory_space<vmem>>
    %dma_start3A_745 = arith.constant 0 : i32
    %dma_start3A_746 = tpu.memref_slice %arg8[%dma_start3A_741, %dma_start3A_745] : memref<20x128xi32, #tpu.memory_space<vmem>> -> memref<1x128xi32, #tpu.memory_space<vmem>>
    %dma_start3A_747 = tpu.memref_squeeze %dma_start3A_746 : memref<1x128xi32, #tpu.memory_space<vmem>> -> memref<128xi32, #tpu.memory_space<vmem>>
    %dma_start3A_748 = arith.constant 0 : i32
    %dma_start3A_749 = arith.constant 0 : i32
    %dma_start3A_750 = tpu.memref_slice %arg6[%dma_start3A_748, %dma_start3A_749] : memref<81920x64xf32, #tpu.memory_space<hbm>> -> memref<81920x64xf32, #tpu.memory_space<hbm>>
    tpu.enqueue_indirect_dma source(%dma_start3A_744 : memref<128x64xf32, #tpu.memory_space<vmem>>) target(%dma_start3A_750 : memref<81920x64xf32, #tpu.memory_space<hbm>>) offsets(%dma_start3A_747 : memref<128xi32, #tpu.memory_space<vmem>>) semaphore(%arg14 : memref<!tpu.dma_semaphore, #tpu.memory_space<semaphore_mem>>)
    %dma_wait3A_751 = arith.constant 16 : i32
    %dma_wait3A_752 = arith.constant 0 : i32
    %dma_wait3A_753 = arith.constant 0 : i32
    %dma_wait3A_754 = tpu.memref_slice %arg10[%dma_wait3A_752, %dma_wait3A_753] : memref<512x64xf32, #tpu.memory_space<vmem>> -> memref<128x64xf32, #tpu.memory_space<vmem>>
    %dma_wait3A_755 = arith.constant 0 : i32
    %dma_wait3A_756 = tpu.memref_slice %arg8[%dma_wait3A_751, %dma_wait3A_755] : memref<20x128xi32, #tpu.memory_space<vmem>> -> memref<1x128xi32, #tpu.memory_space<vmem>>
    %dma_wait3A_757 = tpu.memref_squeeze %dma_wait3A_756 : memref<1x128xi32, #tpu.memory_space<vmem>> -> memref<128xi32, #tpu.memory_space<vmem>>
    %dma_wait3A_758 = arith.constant 0 : i32
    %dma_wait3A_759 = arith.constant 0 : i32
    %dma_wait3A_760 = tpu.memref_slice %arg6[%dma_wait3A_758, %dma_wait3A_759] : memref<81920x64xf32, #tpu.memory_space<hbm>> -> memref<81920x64xf32, #tpu.memory_space<hbm>>
    tpu.wait_indirect_dma semaphore(%arg14 : memref<!tpu.dma_semaphore, #tpu.memory_space<semaphore_mem>>) src(%dma_wait3A_754 : memref<128x64xf32, #tpu.memory_space<vmem>>) dst(%dma_wait3A_760 : memref<81920x64xf32, #tpu.memory_space<hbm>>)
    %dma_wait3A_761 = arith.constant 17 : i32
    %dma_wait3A_762 = arith.constant 128 : i32
    %dma_wait3A_763 = arith.constant 0 : i32
    %dma_wait3A_764 = tpu.memref_slice %arg10[%dma_wait3A_762, %dma_wait3A_763] : memref<512x64xf32, #tpu.memory_space<vmem>> -> memref<128x64xf32, #tpu.memory_space<vmem>>
    %dma_wait3A_765 = arith.constant 0 : i32
    %dma_wait3A_766 = tpu.memref_slice %arg8[%dma_wait3A_761, %dma_wait3A_765] : memref<20x128xi32, #tpu.memory_space<vmem>> -> memref<1x128xi32, #tpu.memory_space<vmem>>
    %dma_wait3A_767 = tpu.memref_squeeze %dma_wait3A_766 : memref<1x128xi32, #tpu.memory_space<vmem>> -> memref<128xi32, #tpu.memory_space<vmem>>
    %dma_wait3A_768 = arith.constant 0 : i32
    %dma_wait3A_769 = arith.constant 0 : i32
    %dma_wait3A_770 = tpu.memref_slice %arg6[%dma_wait3A_768, %dma_wait3A_769] : memref<81920x64xf32, #tpu.memory_space<hbm>> -> memref<81920x64xf32, #tpu.memory_space<hbm>>
    tpu.wait_indirect_dma semaphore(%arg14 : memref<!tpu.dma_semaphore, #tpu.memory_space<semaphore_mem>>) src(%dma_wait3A_764 : memref<128x64xf32, #tpu.memory_space<vmem>>) dst(%dma_wait3A_770 : memref<81920x64xf32, #tpu.memory_space<hbm>>)
    %dma_wait3A_771 = arith.constant 18 : i32
    %dma_wait3A_772 = arith.constant 256 : i32
    %dma_wait3A_773 = arith.constant 0 : i32
    %dma_wait3A_774 = tpu.memref_slice %arg10[%dma_wait3A_772, %dma_wait3A_773] : memref<512x64xf32, #tpu.memory_space<vmem>> -> memref<128x64xf32, #tpu.memory_space<vmem>>
    %dma_wait3A_775 = arith.constant 0 : i32
    %dma_wait3A_776 = tpu.memref_slice %arg8[%dma_wait3A_771, %dma_wait3A_775] : memref<20x128xi32, #tpu.memory_space<vmem>> -> memref<1x128xi32, #tpu.memory_space<vmem>>
    %dma_wait3A_777 = tpu.memref_squeeze %dma_wait3A_776 : memref<1x128xi32, #tpu.memory_space<vmem>> -> memref<128xi32, #tpu.memory_space<vmem>>
    %dma_wait3A_778 = arith.constant 0 : i32
    %dma_wait3A_779 = arith.constant 0 : i32
    %dma_wait3A_780 = tpu.memref_slice %arg6[%dma_wait3A_778, %dma_wait3A_779] : memref<81920x64xf32, #tpu.memory_space<hbm>> -> memref<81920x64xf32, #tpu.memory_space<hbm>>
    tpu.wait_indirect_dma semaphore(%arg14 : memref<!tpu.dma_semaphore, #tpu.memory_space<semaphore_mem>>) src(%dma_wait3A_774 : memref<128x64xf32, #tpu.memory_space<vmem>>) dst(%dma_wait3A_780 : memref<81920x64xf32, #tpu.memory_space<hbm>>)
    %dma_wait3A_781 = arith.constant 19 : i32
    %dma_wait3A_782 = arith.constant 384 : i32
    %dma_wait3A_783 = arith.constant 0 : i32
    %dma_wait3A_784 = tpu.memref_slice %arg10[%dma_wait3A_782, %dma_wait3A_783] : memref<512x64xf32, #tpu.memory_space<vmem>> -> memref<128x64xf32, #tpu.memory_space<vmem>>
    %dma_wait3A_785 = arith.constant 0 : i32
    %dma_wait3A_786 = tpu.memref_slice %arg8[%dma_wait3A_781, %dma_wait3A_785] : memref<20x128xi32, #tpu.memory_space<vmem>> -> memref<1x128xi32, #tpu.memory_space<vmem>>
    %dma_wait3A_787 = tpu.memref_squeeze %dma_wait3A_786 : memref<1x128xi32, #tpu.memory_space<vmem>> -> memref<128xi32, #tpu.memory_space<vmem>>
    %dma_wait3A_788 = arith.constant 0 : i32
    %dma_wait3A_789 = arith.constant 0 : i32
    %dma_wait3A_790 = tpu.memref_slice %arg6[%dma_wait3A_788, %dma_wait3A_789] : memref<81920x64xf32, #tpu.memory_space<hbm>> -> memref<81920x64xf32, #tpu.memory_space<hbm>>
    tpu.wait_indirect_dma semaphore(%arg14 : memref<!tpu.dma_semaphore, #tpu.memory_space<semaphore_mem>>) src(%dma_wait3A_784 : memref<128x64xf32, #tpu.memory_space<vmem>>) dst(%dma_wait3A_790 : memref<81920x64xf32, #tpu.memory_space<hbm>>)
    %dma_wait3A_791 = arith.constant 12 : i32
    %dma_wait3A_792 = arith.constant 0 : i32
    %dma_wait3A_793 = arith.constant 0 : i32
    %dma_wait3A_794 = tpu.memref_slice %arg11[%dma_wait3A_792, %dma_wait3A_793] : memref<512x64xf32, #tpu.memory_space<vmem>> -> memref<128x64xf32, #tpu.memory_space<vmem>>
    %dma_wait3A_795 = arith.constant 0 : i32
    %dma_wait3A_796 = tpu.memref_slice %arg8[%dma_wait3A_791, %dma_wait3A_795] : memref<20x128xi32, #tpu.memory_space<vmem>> -> memref<1x128xi32, #tpu.memory_space<vmem>>
    %dma_wait3A_797 = tpu.memref_squeeze %dma_wait3A_796 : memref<1x128xi32, #tpu.memory_space<vmem>> -> memref<128xi32, #tpu.memory_space<vmem>>
    %dma_wait3A_798 = arith.constant 0 : i32
    %dma_wait3A_799 = arith.constant 0 : i32
    %dma_wait3A_800 = tpu.memref_slice %arg6[%dma_wait3A_798, %dma_wait3A_799] : memref<81920x64xf32, #tpu.memory_space<hbm>> -> memref<81920x64xf32, #tpu.memory_space<hbm>>
    tpu.wait_indirect_dma semaphore(%arg15 : memref<!tpu.dma_semaphore, #tpu.memory_space<semaphore_mem>>) src(%dma_wait3A_794 : memref<128x64xf32, #tpu.memory_space<vmem>>) dst(%dma_wait3A_800 : memref<81920x64xf32, #tpu.memory_space<hbm>>)
    %dma_wait3A_801 = arith.constant 13 : i32
    %dma_wait3A_802 = arith.constant 128 : i32
    %dma_wait3A_803 = arith.constant 0 : i32
    %dma_wait3A_804 = tpu.memref_slice %arg11[%dma_wait3A_802, %dma_wait3A_803] : memref<512x64xf32, #tpu.memory_space<vmem>> -> memref<128x64xf32, #tpu.memory_space<vmem>>
    %dma_wait3A_805 = arith.constant 0 : i32
    %dma_wait3A_806 = tpu.memref_slice %arg8[%dma_wait3A_801, %dma_wait3A_805] : memref<20x128xi32, #tpu.memory_space<vmem>> -> memref<1x128xi32, #tpu.memory_space<vmem>>
    %dma_wait3A_807 = tpu.memref_squeeze %dma_wait3A_806 : memref<1x128xi32, #tpu.memory_space<vmem>> -> memref<128xi32, #tpu.memory_space<vmem>>
    %dma_wait3A_808 = arith.constant 0 : i32
    %dma_wait3A_809 = arith.constant 0 : i32
    %dma_wait3A_810 = tpu.memref_slice %arg6[%dma_wait3A_808, %dma_wait3A_809] : memref<81920x64xf32, #tpu.memory_space<hbm>> -> memref<81920x64xf32, #tpu.memory_space<hbm>>
    tpu.wait_indirect_dma semaphore(%arg15 : memref<!tpu.dma_semaphore, #tpu.memory_space<semaphore_mem>>) src(%dma_wait3A_804 : memref<128x64xf32, #tpu.memory_space<vmem>>) dst(%dma_wait3A_810 : memref<81920x64xf32, #tpu.memory_space<hbm>>)
    %dma_wait3A_811 = arith.constant 14 : i32
    %dma_wait3A_812 = arith.constant 256 : i32
    %dma_wait3A_813 = arith.constant 0 : i32
    %dma_wait3A_814 = tpu.memref_slice %arg11[%dma_wait3A_812, %dma_wait3A_813] : memref<512x64xf32, #tpu.memory_space<vmem>> -> memref<128x64xf32, #tpu.memory_space<vmem>>
    %dma_wait3A_815 = arith.constant 0 : i32
    %dma_wait3A_816 = tpu.memref_slice %arg8[%dma_wait3A_811, %dma_wait3A_815] : memref<20x128xi32, #tpu.memory_space<vmem>> -> memref<1x128xi32, #tpu.memory_space<vmem>>
    %dma_wait3A_817 = tpu.memref_squeeze %dma_wait3A_816 : memref<1x128xi32, #tpu.memory_space<vmem>> -> memref<128xi32, #tpu.memory_space<vmem>>
    %dma_wait3A_818 = arith.constant 0 : i32
    %dma_wait3A_819 = arith.constant 0 : i32
    %dma_wait3A_820 = tpu.memref_slice %arg6[%dma_wait3A_818, %dma_wait3A_819] : memref<81920x64xf32, #tpu.memory_space<hbm>> -> memref<81920x64xf32, #tpu.memory_space<hbm>>
    tpu.wait_indirect_dma semaphore(%arg15 : memref<!tpu.dma_semaphore, #tpu.memory_space<semaphore_mem>>) src(%dma_wait3A_814 : memref<128x64xf32, #tpu.memory_space<vmem>>) dst(%dma_wait3A_820 : memref<81920x64xf32, #tpu.memory_space<hbm>>)
    %dma_wait3A_821 = arith.constant 15 : i32
    %dma_wait3A_822 = arith.constant 384 : i32
    %dma_wait3A_823 = arith.constant 0 : i32
    %dma_wait3A_824 = tpu.memref_slice %arg11[%dma_wait3A_822, %dma_wait3A_823] : memref<512x64xf32, #tpu.memory_space<vmem>> -> memref<128x64xf32, #tpu.memory_space<vmem>>
    %dma_wait3A_825 = arith.constant 0 : i32
    %dma_wait3A_826 = tpu.memref_slice %arg8[%dma_wait3A_821, %dma_wait3A_825] : memref<20x128xi32, #tpu.memory_space<vmem>> -> memref<1x128xi32, #tpu.memory_space<vmem>>
    %dma_wait3A_827 = tpu.memref_squeeze %dma_wait3A_826 : memref<1x128xi32, #tpu.memory_space<vmem>> -> memref<128xi32, #tpu.memory_space<vmem>>
    %dma_wait3A_828 = arith.constant 0 : i32
    %dma_wait3A_829 = arith.constant 0 : i32
    %dma_wait3A_830 = tpu.memref_slice %arg6[%dma_wait3A_828, %dma_wait3A_829] : memref<81920x64xf32, #tpu.memory_space<hbm>> -> memref<81920x64xf32, #tpu.memory_space<hbm>>
    tpu.wait_indirect_dma semaphore(%arg15 : memref<!tpu.dma_semaphore, #tpu.memory_space<semaphore_mem>>) src(%dma_wait3A_824 : memref<128x64xf32, #tpu.memory_space<vmem>>) dst(%dma_wait3A_830 : memref<81920x64xf32, #tpu.memory_space<hbm>>)
    %dma_wait3A_831 = arith.constant 0 : i32
    %dma_wait3A_832 = arith.constant 0 : i32
    %dma_wait3A_833 = tpu.memref_slice %arg9[%dma_wait3A_831, %dma_wait3A_832] : memref<3x128xi32, #tpu.memory_space<vmem>> -> memref<1x128xi32, #tpu.memory_space<vmem>>
    %dma_wait3A_834 = tpu.memref_squeeze %dma_wait3A_833 : memref<1x128xi32, #tpu.memory_space<vmem>> -> memref<128xi32, #tpu.memory_space<vmem>>
    %dma_wait3A_835 = arith.constant 0 : i32
    %dma_wait3A_836 = arith.constant 0 : i32
    %dma_wait3A_837 = tpu.memref_slice %arg6[%dma_wait3A_835, %dma_wait3A_836] : memref<81920x64xf32, #tpu.memory_space<hbm>> -> memref<81920x64xf32, #tpu.memory_space<hbm>>
    tpu.wait_indirect_dma semaphore(%arg16 : memref<!tpu.dma_semaphore, #tpu.memory_space<semaphore_mem>>) src(%arg12 : memref<128x64xf32, #tpu.memory_space<vmem>>) dst(%dma_wait3A_837 : memref<81920x64xf32, #tpu.memory_space<hbm>>)
    %dma_wait3A_838 = arith.constant 1 : i32
    %dma_wait3A_839 = arith.constant 0 : i32
    %dma_wait3A_840 = tpu.memref_slice %arg9[%dma_wait3A_838, %dma_wait3A_839] : memref<3x128xi32, #tpu.memory_space<vmem>> -> memref<1x128xi32, #tpu.memory_space<vmem>>
    %dma_wait3A_841 = tpu.memref_squeeze %dma_wait3A_840 : memref<1x128xi32, #tpu.memory_space<vmem>> -> memref<128xi32, #tpu.memory_space<vmem>>
    %dma_wait3A_842 = arith.constant 0 : i32
    %dma_wait3A_843 = arith.constant 0 : i32
    %dma_wait3A_844 = tpu.memref_slice %arg6[%dma_wait3A_842, %dma_wait3A_843] : memref<81920x64xf32, #tpu.memory_space<hbm>> -> memref<81920x64xf32, #tpu.memory_space<hbm>>
    tpu.wait_indirect_dma semaphore(%arg16 : memref<!tpu.dma_semaphore, #tpu.memory_space<semaphore_mem>>) src(%arg12 : memref<128x64xf32, #tpu.memory_space<vmem>>) dst(%dma_wait3A_844 : memref<81920x64xf32, #tpu.memory_space<hbm>>)
    %dma_wait3A_845 = arith.constant 2 : i32
    %dma_wait3A_846 = arith.constant 0 : i32
    %dma_wait3A_847 = tpu.memref_slice %arg9[%dma_wait3A_845, %dma_wait3A_846] : memref<3x128xi32, #tpu.memory_space<vmem>> -> memref<1x128xi32, #tpu.memory_space<vmem>>
    %dma_wait3A_848 = tpu.memref_squeeze %dma_wait3A_847 : memref<1x128xi32, #tpu.memory_space<vmem>> -> memref<128xi32, #tpu.memory_space<vmem>>
    %dma_wait3A_849 = arith.constant 0 : i32
    %dma_wait3A_850 = arith.constant 0 : i32
    %dma_wait3A_851 = tpu.memref_slice %arg6[%dma_wait3A_849, %dma_wait3A_850] : memref<81920x64xf32, #tpu.memory_space<hbm>> -> memref<81920x64xf32, #tpu.memory_space<hbm>>
    tpu.wait_indirect_dma semaphore(%arg16 : memref<!tpu.dma_semaphore, #tpu.memory_space<semaphore_mem>>) src(%arg12 : memref<128x64xf32, #tpu.memory_space<vmem>>) dst(%dma_wait3A_851 : memref<81920x64xf32, #tpu.memory_space<hbm>>)
    return
  }
}

</mosaic_0001>

<sc_bundles>
// kernel: kernel.3.cloned.1.call-start
scs
__scs_entry_jumppad:
0x0: {  	(pc) =	sbr.rel $0x88, $3  }
0x1: {  	(tag) =	ssettag $0x0;
	lr =	simm.s32 $0x1  }
0x2: {  	[smem:$0x3F9F] =	sst lr;
	_ =	strace $0xD0000000  }
0x3: {  	_ = 	snop  }
0x4: {  	_ = 	snop  }
0x5: {  	_ = 	snop  }
0x6: {  	_ = 	snop  }
0x7: {  	_ = 	snop  }
__scs_overlays_trampoline_lowered:
0x8: {  	[smem:$0x3FAE] =	sst s0  }
0x9: {  	[smem:$0x3FAF] =	sst s1  }
0xa: {  	[smem:$0x3FB0] =	sst s2  }
0xb: {  	[smem:$0x3FB1] =	sst s3  }
0xc: {  	[smem:$0x3FB2] =	sst s4  }
0xd: {  	[smem:$0x3FB3] =	sst s5  }
0xe: {  	[smem:$0x3FB4] =	sst s6  }
0xf: {  	[smem:$0x3FB5] =	sst s7  }
0x10: {  	[smem:$0x3FB6] =	sst s8  }
0x11: {  	[smem:$0x3FB7] =	sst s9;
	s0 =	simm.s32 @!p0 $0x0  }
0x12: {  	s1 =	sld [smem:$0x3F9D];
	s0 =	simm.s32 @p0 $0x1  }
0x13: {  	[smem:$0x3FB8] =	sst s0;
	s0 =	simm.s32 @!p1 $0x0  }
0x14: {  	s2 =	sld [smem:$0x3F9C];
	s0 =	simm.s32 @p1 $0x1  }
0x15: {  	[smem:$0x3FB9] =	sst s0;
	s0 =	simm.s32 @!p2 $0x0  }
0x16: {  	s3 =	sld [smem:$0x3FDB];
	s0 =	simm.s32 @p2 $0x1  }
0x17: {  	s4 =	simm.s32 $0x1BF5;
	[smem:$0x3FBB] =	sst s0  }
0x18: {  	s0 =	sld [smem:$0x3F9E];
	_ =	swait.ge [sflag:s4], $0x0  }
0x19: {  	s7 =	sld [smem:$0x3F9F]  }
0x1a: {  	s8 =	sadd.s32 $0xFFFFE003, lr  }
0x1b: {  	s9 =	sadd.s32 $0xFFFFFEF7, lr;
	s5 =	simm.s32 $0xFFFFFFFF;
	p2 =	slt.u32 s8, $0xFFFFF086  }
0x1c: {  	p1 =	slt.u32 s9, $0xF7A;
	s5 =	simm.s32 @!p2 $0x0  }
0x1d: {  	s5 =	simm.s32 @p1 $0x1;
	p0 =	seq.s32 s7, s2  }
0x1e: {  	s7 =	smul.u32 @!p0 $0xF7A, s2;
	p2 =	seq.s32 @!p0 s5, $0x0  }
0x1f: {  	s9 =	smul.u32 $0xF7A, s1;
	s8 =	simm.s32 @!p0 $0x1BF5;
	p2 =	por !p2, p0  }
0x20: {  	[sflag:s8] =	ssyncset.s32 @!p0 $0xFFFFF086;
	s6 =	sadd.s32 @!p0 s3, s7;
	s7 =	simm.s32 @!p0 $0x108  }
0x21: {  	s3 =	sadd.s32 s3, s9;
	s6 =	sadd.s32 @!p0 $0x88, s6;
	s7 =	simm.s32 @p2 $0x1082  }
0x22: {  	[simem:s7], [sflag:s8] =	dma.local @!p0 [hbm:s6], $0xF7A  }
0x23: {  	s9 =	sor.u32 $0xD0000000, s2;
	s6 =	simm.s32 $0x108;
	_ =	swait.ge @!p0 [sflag:s8], $0x0  }
0x24: {  	s3 =	sadd.s32 $0x88, s3;
	s6 =	simm.s32 @!p1 $0x1082;
	[sflag:s4] =	ssyncset.s32 $0xFFFFF086  }
0x25: {  	[simem:s6], [sflag:s4] =	dma.local [hbm:s3], $0xF7A  }
0x26: {  	[smem:$0x3F9F] =	sst s1;
	(tag) =	ssettag s2;
	_ =	strace s9  }
0x27: {  	s1 =	sld [smem:$0x3FAF]  }
0x28: {  	s2 =	sld [smem:$0x3FB0]  }
0x29: {  	s4 =	sld [smem:$0x3FB2]  }
0x2a: {  	p0 =	seq.s32 s5, $0x0;
	s5 =	sld [smem:$0x3FB3]  }
0x2b: {  	s6 =	sld [smem:$0x3FB4]  }
0x2c: {  	s7 =	sld [smem:$0x3FB5]  }
0x2d: {  	s3 =	simm.s32 $0x108;
	s8 =	sld [smem:$0x3FB6]  }
0x2e: {  	s3 =	simm.s32 @!p0 $0x1082;
	s9 =	sld [smem:$0x3FB7]  }
0x2f: {  	lr =	sadd.s32 s0, s3;
	s0 =	sld [smem:$0x3FAE]  }
0x30: {  	s3 =	sld [smem:$0x3FB1]  }
0x31: {  	[smem:$0x3FBA] =	sst s10  }
0x32: {  	s10 =	sld [smem:$0x3FB8];
	_ =	sdelay $0x3  }
0x33: {  	p0 =	seq.s32 s10, $0x1;
	s10 =	sld [smem:$0x3FBA];
	_ =	sdelay $0x3  }
0x34: {  	[smem:$0x3FBA] =	sst s10  }
0x35: {  	s10 =	sld [smem:$0x3FB9];
	_ =	sdelay $0x3  }
0x36: {  	p1 =	seq.s32 s10, $0x1;
	s10 =	sld [smem:$0x3FBA];
	_ =	sdelay $0x3  }
0x37: {  	[smem:$0x3FBA] =	sst s10  }
0x38: {  	s10 =	sld [smem:$0x3FBB]  }
0x39: {  	_ = 	snop;
	(pc) =	sbr.ind lr, $3  }
0x3a: {  	_ = 	snop  }
0x3b: {  	_ = 	snop  }
0x3c: {  	p2 =	seq.s32 s10, $0x1;
	s10 =	sld [smem:$0x3FBA]  }
0x3d: {  	_ =	shalt  }
0x3e: {  	_ =	shalt  }
0x3f: {  	_ =	shalt  }
0x40: {  	_ =	shalt  }
0x41: {  	_ =	shalt  }
0x42: {  	_ =	shalt  }
0x43: {  	_ =	shalt  }
0x44: {  	_ =	shalt  }
0x45: {  	_ =	shalt  }
0x46: {  	_ =	shalt  }
0x47: {  	_ =	shalt  }
0x48: {  	_ =	shalt  }
0x49: {  	_ =	shalt  }
0x4a: {  	_ =	shalt  }
0x4b: {  	_ =	shalt  }
0x4c: {  	_ =	shalt  }
0x4d: {  	_ =	shalt  }
0x4e: {  	_ =	shalt  }
0x4f: {  	_ =	shalt  }
0x50: {  	_ =	shalt  }
0x51: {  	_ =	shalt  }
0x52: {  	_ =	shalt  }
0x53: {  	_ =	shalt  }
0x54: {  	_ =	shalt  }
0x55: {  	_ =	shalt  }
0x56: {  	_ =	shalt  }
0x57: {  	_ =	shalt  }
0x58: {  	_ =	shalt  }
0x59: {  	_ =	shalt  }
0x5a: {  	_ =	shalt  }
0x5b: {  	_ =	shalt  }
0x5c: {  	_ =	shalt  }
0x5d: {  	_ =	shalt  }
0x5e: {  	_ =	shalt  }
0x5f: {  	_ =	shalt  }
0x60: {  	_ =	shalt  }
0x61: {  	_ =	shalt  }
0x62: {  	_ =	shalt  }
0x63: {  	_ =	shalt  }
0x64: {  	_ =	shalt  }
0x65: {  	_ =	shalt  }
0x66: {  	_ =	shalt  }
0x67: {  	_ =	shalt  }
0x68: {  	_ =	shalt  }
0x69: {  	_ =	shalt  }
0x6a: {  	_ =	shalt  }
0x6b: {  	_ =	shalt  }
0x6c: {  	_ =	shalt  }
0x6d: {  	_ =	shalt  }
0x6e: {  	_ =	shalt  }
0x6f: {  	_ =	shalt  }
0x70: {  	_ =	shalt  }
0x71: {  	_ =	shalt  }
0x72: {  	_ =	shalt  }
0x73: {  	_ =	shalt  }
0x74: {  	_ =	shalt  }
0x75: {  	_ =	shalt  }
0x76: {  	_ =	shalt  }
0x77: {  	_ =	shalt  }
0x78: {  	_ =	shalt  }
0x79: {  	_ =	shalt  }
0x7a: {  	_ =	shalt  }
0x7b: {  	_ =	shalt  }
0x7c: {  	_ =	shalt  }
0x7d: {  	_ =	shalt  }
0x7e: {  	_ =	shalt  }
0x7f: {  	_ =	shalt  }
0x80: {  	_ =	shalt  }
0x81: {  	_ =	shalt  }
0x82: {  	_ =	shalt  }
0x83: {  	_ =	shalt  }
0x84: {  	_ =	shalt  }
0x85: {  	_ =	shalt  }
0x86: {  	_ =	shalt  }
0x87: {  	_ =	shalt  }
.Lfunc_end0:
.L_simem_size_0:
called_computation_lowered:
.L_overlay_start_0:
0x88: {  	s2 =	sld [smem:$0x3FD9]  }
0x89: {  	s3 =	sld [smem:$0x3FFE];
	_ =	sdelay $0x1  }
0x8a: {  	s1 =	srdreg.scid  }
0x8b: {  	s0 =	sand.u32 $0x1, s1  }
0x8c: {  	s14 =	sshll.u32 s0, $0xA;
	s2 =	sadd.s32 s3, s2  }
0x8d: {  	s2 =	sadd.s32 s2, s14  }
0x8e: {  	[smem:$0x3FC6] =	sst s2  }
0x8f: {  	_ = 	snop  }
0x90: {  	s2 =	sld [smem:$0x3FD0];
	_ =	sdelay $0x2  }
0x91: {  	s15 =	simm.s32 $0xA;
	s4 =	simm.s32 $0x10  }
0x92: {  	[smem:s4], [sflag:s15] =	dma.local [hbm:s2], $0x1  }
0x93: {  	_ =	swait.eq [sflag:s15], $0x1  }
0x94: {  	s16 =	sld [smem:$0x10];
	[sflag:s15] =	ssyncset.done $0x0  }
0x95: {  	s17 =	sld [smem:$0x12];
	[sflag:s15] =	ssyncadd.s32 $0xFFFFFFFF  }
0x96: {  	s18 =	sld [smem:$0x13];
	(tm) =	ssettm $0x1  }
0x97: {  	s5 =	sld [smem:$0x3FFB];
	_ =	sdelay $0x3  }
0x98: {  	_ =	strace s5  }
0x99: {  	s5 =	sld [smem:$0x3FFC];
	_ =	sdelay $0x3  }
0x9a: {  	_ =	strace s5  }
0x9b: {  	s5 =	sld [smem:$0x3FFD];
	_ =	sdelay $0x3  }
0x9c: {  	_ =	strace s5  }
0x9d: {  	_ =	strace $0x8FFFFFFF  }
0x9e: {  	s19 =	sld [smem:$0x3FDB];
	_ =	sdelay $0x1  }
0x9f: {  	s6 =	simm.s32 $_scs_section_size  }
0xa0: {  	s7 =	simm.s32 $_size__tile_overlayer_lowered;
	s8 =	simm.s32 $_tile_overlayer_lowered  }
0xa1: {  	s22 =	simm.s32 $0x1BFF;
	s21 =	sshll.u32 s8, $0x1;
	s5 =	sadd.s32 s6, s19  }
0xa2: {  	s9 =	simm.s32 $0x0;
	s20 =	sshll.u32 s7, $0x1;
	s7 =	sadd.s32 s21, s5  }
0xa3: {  	[timem:s9], [sflag:s22] =	dma.local [hbm:s7], s20  }
0xa4: {  	_ =	swait.ge [sflag:s22], s20  }
0xa5: {  	s6 =	ssub.s32 $0x0, s20;
	[sflag:s22] =	ssyncset.done $0x0  }
0xa6: {  	[sflag:s22] =	ssyncadd.s32 s6;
	_ =	sdelay $0x1  }
0xa7: {  	s23 =	simm.s32 $0x1B8B  }
0xa8: {  	_ =	swait.ge [sflag:s23], $0x1  }
0xa9: {  	[sflag:s23] =	ssyncset.done $0x0  }
0xaa: {  	s25 =	simm.s32 $0x1B8E;
	s24 =	sld [smem:$0x3FFE];
	[sflag:s23] =	ssyncadd.s32 $0xFFFFFFFF  }
0xab: {  	s26 =	simm.s32 $execute0_lowered;
	[smem:$0x3FD2] =	sst s25  }
0xac: {  	s7 =	sshll.u32 s26, $0x1;
	_ =	strace $0x80000046;
	[dreg:$0x1] =	wrdreg $0xFFFFFFFF  }
0xad: {  	s28 =	simm.s32 $_size_execute0_lowered;
	s5 =	sadd.s32 s5, s7;
	[dreg:$0x0] =	wrdreg $0x0  }
0xae: {  	s7 =	sshll.u32 s28, $0x1;
	[dreg:$0x2] =	wrdreg s5  }
0xaf: {  	[dreg:$0x3] =	wrdreg s7  }
0xb0: {  	[dreg:$0x4] =	wrdreg $0xC0  }
0xb1: {  	_ =	task [dreg:s9], $0x5FFFF  }
0xb2: {  	[dreg:$0x1] =	wrdreg $0xFFFFFFFF  }
0xb3: {  	[dreg:$0x0] =	wrdreg $0x60  }
0xb4: {  	[dreg:$0x2] =	wrdreg s18  }
0xb5: {  	[dreg:$0x3] =	wrdreg s16  }
0xb6: {  	[dreg:$0x4] =	wrdreg s24  }
0xb7: {  	[dreg:$0x5] =	wrdreg s17  }
0xb8: {  	[dreg:$0x6] =	wrdreg $0x9  }
0xb9: {  	_ =	task.clear_ibuf [dreg:s9], $0x7FFFF;
	_ =	strace $0x90000046  }
0xba: {  	s29 =	simm.s32 $0x9;
	_ =	strace $0x80000048  }
0xbb: {  	_ =	swait.ge [sflag:s29], $0x1  }
0xbc: {  	[sflag:s29] =	ssyncadd.s32 $0xFFFFFFFF  }
0xbd: {  	_ =	strace $0x90000048  }
0xbe: {  	_ =	sfence  }
0xbf: {  	s30 =	sld [smem:$0x0];
	_ =	sdelay $0x2  }
0xc0: {  	s31 =	sshll.u32 s1, $0xD;
	s1 =	sshrl.u32 s1, $0x2  }
0xc1: {  	s3 =	sand.u32 $0x4000, s31;
	s1 =	sadd.s32 s1, s30  }
0xc2: {  	s0 =	sor.u32 s3, s0;
	s1 =	sshll.u32 s1, $0x11  }
0xc3: {  	s0 =	sor.u32 s1, s0  }
0xc4: {  	s0 =	sadd.s32 $0x8F2B, s0  }
0xc5: {  	[sflag:s0] =	ssyncadd.remote.s32 $0x1  }
0xc6: {  	_ =	sfence.sel $0xFFFF  }
0xc7: {  	[dreg:$0x0] =	wrdreg $0xFFFFFFFF;
	(pc) =	sbr.abs _section_cstart, $3  }
0xc8: {  	[dreg:$0x1] =	wrdreg $0xFFFFFFFF  }
0xc9: {  	_ =	task.clear_ibuf [dreg:s9], $0x2FFFF;
	_ =	strace $0x9FFFFFFF  }
0xca: {  	(tm) =	ssettm $0x7FFFFFFF  }
0xcb: {  	_ =	shalt  }
tec
execute0_lowered:
.L_overlay_start_1:
0x0: {  	(tag) =	ssettag $0x1  }
0x1: {  	s1 =	rddreg [dreg:$0x0]  }
0x2: {  	s0 =	rddreg [dreg:$0x1];
	s2 =	srdreg.scid  }
0x3: {  	s3 =	stileid.u32;
	s5 =	rddreg [dreg:$0x2]  }
0x4: {  	s11 =	simm.s32 $0x1400;
	s12 =	simm.s32 $0x80;
	s13 =	simm.s32 $0x11580  }
0x5: {  	s16 =	simm.s32 $0x1580;
	s17 =	simm.s32 $0x3580;
	s19 =	simm.s32 $0x5580  }
0x6: {  	s21 =	simm.s32 $0x7580;
	s22 =	simm.s32 $0x1;
	s28 =	simm.s32 $0x9580  }
0x7: {  	s30 =	simm.s32 $0xB580;
	s14 =	simm.s32 $0xF580;
	s24 =	simm.s32 $0x2  }
0x8: {  	s23 =	simm.s32 $0x3;
	s15 =	simm.s32 $0x1280;
	s18 =	simm.s32 $0x1300  }
0x9: {  	s20 =	simm.s32 $0x1380;
	s2 =	sand.u32 $0x1, s2;
	s4 =	sshll.u32 s3, $0x1  }
0xa: {  	s25 =	simm.s32 $0x4;
	s26 =	simm.s32 $0x0;
	s6 =	sor.u32 s2, s4  }
0xb: {  	s4 =	simm.s32 $0x0;
	s2 =	ssub.s32 $0x2, s2;
	s7 =	smul.u32 $0x140, s6  }
0xc: {  	[smem:$0x7FF] =	sst s4;
	s6 =	smul.u32 $0x30, s6;
	s9 =	sshrl.u32 s2, $0x1  }
0xd: {  	s3 =	rddreg [dreg:$0x3];
	_ =	strace $0x80000047;
	s2 =	ssub.s32 s2, s9  }
0xe: {  	s9 =	simm.s32 $0x5;
	s8 =	sadd.s32 s7, s5;
	s10 =	sadd.s32 s6, s5  }
0xf: {  	vm0 =	vcmask $0x300;
	v0 =	vimm.f32 $0.0e+00;
	s5 =	sadd.s32 s0, s7;
	s6 =	sadd.s32 $0x1C00, s8;
	s7 =	sadd.s32 $0x4400, s10  }
0x10: {  	v1 =	vsel vm0, $0x3F800000, v0;
	s8 =	smax.u32 s2, $0x1;
	s10 =	simm.s32 $0xA00;
	s2 =	simm.s32 $0xD580  }
.LBB2_1:
0x11: {  	[tilespmem:s4], [sflag:$0x5] =	stream.linear.gather [hbm4b:s5+s4], $0xA00, $0x38;
	[tilespmem:$0x13580] =	vst v63  }
0x12: {  	_ =	swait.ge [sflag:s9], $0xA00  }
0x13: {  	[sflag:s9] =	ssyncset.done $0x0  }
0x14: {  	[sflag:s9] =	ssyncadd.s32 $0xFFFFF600  }
0x15: {  	[tilespmem:s10], [sflag:$0x5] =	stream.linear.gather [hbm4b:s6+s4], $0xA00, $0x38;
	[tilespmem:$0x13580] =	vst v63  }
0x16: {  	_ =	swait.ge [sflag:s9], $0xA00  }
0x17: {  	[sflag:s9] =	ssyncset.done $0x0  }
0x18: {  	[sflag:s9] =	ssyncadd.s32 $0xFFFFF600  }
0x19: {  	[tilespmem:s11], [sflag:$0x5] =	stream.linear.gather [hbm4b:s7+s4], $0x180, $0x38;
	[tilespmem:$0x13580] =	vst v63  }
0x1a: {  	_ =	swait.ge [sflag:s9], $0x180  }
0x1b: {  	[sflag:s9] =	ssyncset.done $0x0  }
0x1c: {  	s31 =	simm.s32 $0x100;
	s29 =	simm.s32 $0x0;
	[sflag:s9] =	ssyncadd.s32 $0xFFFFFE80  }
.LBB2_2:
0x1d: {  	p0 =	sne.s32 s31, $0x7F00;
	[tilespmem:s29+$0x115B0] =	vst v0;
	s0 =	smov.u32 s31;
	s31 =	sadd.s32 $0x100, s31  }
.Ltmp0:
0x1e: {  	[tilespmem:s29+$0x115A0] =	vst v0;
	(pc) =	sbr.rel @p0 .LBB2_2-.Ltmp0, $3  }
0x1f: {  	[tilespmem:s29+$0x11580] =	vst v1  }
0x20: {  	[tilespmem:s29+$0x11590] =	vst v0;
	_ =	sdelay $0x1  }
0x21: {  	s29 =	sshra.s32 s0, $0x2  }
0x22: {  	[tilespmem:s29+$0x115B0] =	vst v0  }
0x23: {  	[tilespmem:s29+$0x115A0] =	vst v0  }
0x24: {  	[tilespmem:s29+$0x11580] =	vst v1  }
0x25: {  	[tilespmem:s29+$0x11590] =	vst v0  }
0x26: {  	[hbm4b:s3+s12] =	stream.indirect.scatter [tilespmem:s13], [sflag:$0x4], $0x40, s11, s12, $0xb8;
	[tilespmem:$0x13580] =	vst v63  }
0x27: {  	s0 =	simm.s32 $0x1480  }
0x28: {  	[hbm4b:s3+s12] =	stream.indirect.scatter [tilespmem:s13], [sflag:$0x4], $0x40, s0, s12, $0xb8;
	[tilespmem:$0x13580] =	vst v63  }
0x29: {  	s31 =	simm.s32 $0x1500  }
0x2a: {  	[hbm4b:s3+s12] =	stream.indirect.scatter [tilespmem:s13], [sflag:$0x4], $0x40, s31, s12, $0xb8;
	[tilespmem:$0x13580] =	vst v63  }
0x2b: {  	_ = 	snop  }
0x2c: {  	[tilespmem:s16], [sflag:$0x1] =	stream.indirect.gather [hbm4b:s1+s12], $0x40, s4, s12, $0xb8;
	[tilespmem:$0x13580] =	vst v63  }
0x2d: {  	_ = 	snop  }
0x2e: {  	[tilespmem:s17], [sflag:$0x1] =	stream.indirect.gather [hbm4b:s1+s12], $0x40, s12, s12, $0xb8;
	[tilespmem:$0x13580] =	vst v63  }
0x2f: {  	s29 =	simm.s32 $0x100  }
0x30: {  	[tilespmem:s19], [sflag:$0x1] =	stream.indirect.gather [hbm4b:s1+s12], $0x40, s29, s12, $0xb8;
	[tilespmem:$0x13580] =	vst v63  }
0x31: {  	s31 =	simm.s32 $0x180  }
0x32: {  	[tilespmem:s21], [sflag:$0x1] =	stream.indirect.gather [hbm4b:s1+s12], $0x40, s31, s12, $0xb8;
	[tilespmem:$0x13580] =	vst v63  }
0x33: {  	_ =	swait.ge [sflag:s22], $0x2000  }
0x34: {  	[sflag:s22] =	ssyncset.done $0x0  }
0x35: {  	[sflag:s22] =	ssyncadd.s32 $0xFFFFE000  }
0x36: {  	_ =	swait.ge [sflag:s22], $0x2000  }
0x37: {  	[sflag:s22] =	ssyncset.done $0x0  }
0x38: {  	[sflag:s22] =	ssyncadd.s32 $0xFFFFE000  }
0x39: {  	_ =	swait.ge [sflag:s22], $0x2000  }
0x3a: {  	[sflag:s22] =	ssyncset.done $0x0  }
0x3b: {  	[sflag:s22] =	ssyncadd.s32 $0xFFFFE000  }
0x3c: {  	_ =	swait.ge [sflag:s22], $0x2000  }
0x3d: {  	[sflag:s22] =	ssyncset.done $0x0  }
0x3e: {  	[sflag:s22] =	ssyncadd.s32 $0xFFFFE000  }
0x3f: {  	[hbm4b:s3+s12] =	stream.indirect.scatter [tilespmem:s16], [sflag:$0x2], $0x40, s10, s12, $0xb8;
	[tilespmem:$0x13580] =	vst v63  }
0x40: {  	s29 =	simm.s32 $0xA80  }
0x41: {  	[hbm4b:s3+s12] =	stream.indirect.scatter [tilespmem:s17], [sflag:$0x2], $0x40, s29, s12, $0xb8;
	[tilespmem:$0x13580] =	vst v63  }
0x42: {  	s31 =	simm.s32 $0xB00  }
0x43: {  	[hbm4b:s3+s12] =	stream.indirect.scatter [tilespmem:s19], [sflag:$0x2], $0x40, s31, s12, $0xb8;
	[tilespmem:$0x13580] =	vst v63  }
0x44: {  	s29 =	simm.s32 $0xB80  }
0x45: {  	[hbm4b:s3+s12] =	stream.indirect.scatter [tilespmem:s21], [sflag:$0x2], $0x40, s29, s12, $0xb8;
	[tilespmem:$0x13580] =	vst v63  }
0x46: {  	s31 =	simm.s32 $0x200  }
0x47: {  	[tilespmem:s28], [sflag:$0x1] =	stream.indirect.gather [hbm4b:s1+s12], $0x40, s31, s12, $0xb8;
	[tilespmem:$0x13580] =	vst v63  }
0x48: {  	s29 =	simm.s32 $0x280  }
0x49: {  	[tilespmem:s30], [sflag:$0x1] =	stream.indirect.gather [hbm4b:s1+s12], $0x40, s29, s12, $0xb8;
	[tilespmem:$0x13580] =	vst v63  }
0x4a: {  	s31 =	simm.s32 $0x300  }
0x4b: {  	[tilespmem:s2], [sflag:$0x1] =	stream.indirect.gather [hbm4b:s1+s12], $0x40, s31, s12, $0xb8;
	[tilespmem:$0x13580] =	vst v63  }
0x4c: {  	s29 =	simm.s32 $0x380  }
0x4d: {  	[tilespmem:s14], [sflag:$0x1] =	stream.indirect.gather [hbm4b:s1+s12], $0x40, s29, s12, $0xb8;
	[tilespmem:$0x13580] =	vst v63  }
0x4e: {  	_ =	swait.ge [sflag:s22], $0x2000  }
0x4f: {  	[sflag:s22] =	ssyncset.done $0x0  }
0x50: {  	[sflag:s22] =	ssyncadd.s32 $0xFFFFE000  }
0x51: {  	_ =	swait.ge [sflag:s22], $0x2000  }
0x52: {  	[sflag:s22] =	ssyncset.done $0x0  }
0x53: {  	[sflag:s22] =	ssyncadd.s32 $0xFFFFE000  }
0x54: {  	_ =	swait.ge [sflag:s22], $0x2000  }
0x55: {  	[sflag:s22] =	ssyncset.done $0x0  }
0x56: {  	[sflag:s22] =	ssyncadd.s32 $0xFFFFE000  }
0x57: {  	_ =	swait.ge [sflag:s22], $0x2000  }
0x58: {  	[sflag:s22] =	ssyncset.done $0x0  }
0x59: {  	s31 =	simm.s32 $0xC00;
	[sflag:s22] =	ssyncadd.s32 $0xFFFFE000  }
0x5a: {  	[hbm4b:s3+s12] =	stream.indirect.scatter [tilespmem:s28], [sflag:$0x3], $0x40, s31, s12, $0xb8;
	[tilespmem:$0x13580] =	vst v63  }
0x5b: {  	s29 =	simm.s32 $0xC80  }
0x5c: {  	[hbm4b:s3+s12] =	stream.indirect.scatter [tilespmem:s30], [sflag:$0x3], $0x40, s29, s12, $0xb8;
	[tilespmem:$0x13580] =	vst v63  }
0x5d: {  	s31 =	simm.s32 $0xD00  }
0x5e: {  	[hbm4b:s3+s12] =	stream.indirect.scatter [tilespmem:s2], [sflag:$0x3], $0x40, s31, s12, $0xb8;
	[tilespmem:$0x13580] =	vst v63  }
0x5f: {  	s29 =	simm.s32 $0xD80  }
0x60: {  	[hbm4b:s3+s12] =	stream.indirect.scatter [tilespmem:s14], [sflag:$0x3], $0x40, s29, s12, $0xb8;
	[tilespmem:$0x13580] =	vst v63  }
0x61: {  	_ =	swait.ge [sflag:s24], $0x2000  }
0x62: {  	[sflag:s24] =	ssyncset.done $0x0  }
0x63: {  	[sflag:s24] =	ssyncadd.s32 $0xFFFFE000  }
0x64: {  	_ =	swait.ge [sflag:s24], $0x2000  }
0x65: {  	[sflag:s24] =	ssyncset.done $0x0  }
0x66: {  	[sflag:s24] =	ssyncadd.s32 $0xFFFFE000  }
0x67: {  	_ =	swait.ge [sflag:s24], $0x2000  }
0x68: {  	[sflag:s24] =	ssyncset.done $0x0  }
0x69: {  	[sflag:s24] =	ssyncadd.s32 $0xFFFFE000  }
0x6a: {  	_ =	swait.ge [sflag:s24], $0x2000  }
0x6b: {  	[sflag:s24] =	ssyncset.done $0x0  }
0x6c: {  	s31 =	simm.s32 $0x400;
	[sflag:s24] =	ssyncadd.s32 $0xFFFFE000  }
0x6d: {  	[tilespmem:s16], [sflag:$0x1] =	stream.indirect.gather [hbm4b:s1+s12], $0x40, s31, s12, $0xb8;
	[tilespmem:$0x13580] =	vst v63  }
0x6e: {  	s29 =	simm.s32 $0x480  }
0x6f: {  	[tilespmem:s17], [sflag:$0x1] =	stream.indirect.gather [hbm4b:s1+s12], $0x40, s29, s12, $0xb8;
	[tilespmem:$0x13580] =	vst v63  }
0x70: {  	s31 =	simm.s32 $0x500  }
0x71: {  	[tilespmem:s19], [sflag:$0x1] =	stream.indirect.gather [hbm4b:s1+s12], $0x40, s31, s12, $0xb8;
	[tilespmem:$0x13580] =	vst v63  }
0x72: {  	s29 =	simm.s32 $0x580  }
0x73: {  	[tilespmem:s21], [sflag:$0x1] =	stream.indirect.gather [hbm4b:s1+s12], $0x40, s29, s12, $0xb8;
	[tilespmem:$0x13580] =	vst v63  }
0x74: {  	_ =	swait.ge [sflag:s22], $0x2000  }
0x75: {  	[sflag:s22] =	ssyncset.done $0x0  }
0x76: {  	[sflag:s22] =	ssyncadd.s32 $0xFFFFE000  }
0x77: {  	_ =	swait.ge [sflag:s22], $0x2000  }
0x78: {  	[sflag:s22] =	ssyncset.done $0x0  }
0x79: {  	[sflag:s22] =	ssyncadd.s32 $0xFFFFE000  }
0x7a: {  	_ =	swait.ge [sflag:s22], $0x2000  }
0x7b: {  	[sflag:s22] =	ssyncset.done $0x0  }
0x7c: {  	[sflag:s22] =	ssyncadd.s32 $0xFFFFE000  }
0x7d: {  	_ =	swait.ge [sflag:s22], $0x2000  }
0x7e: {  	[sflag:s22] =	ssyncset.done $0x0  }
0x7f: {  	s31 =	simm.s32 $0xE00;
	[sflag:s22] =	ssyncadd.s32 $0xFFFFE000  }
0x80: {  	[hbm4b:s3+s12] =	stream.indirect.scatter [tilespmem:s16], [sflag:$0x2], $0x40, s31, s12, $0xb8;
	[tilespmem:$0x13580] =	vst v63  }
0x81: {  	s29 =	simm.s32 $0xE80  }
0x82: {  	[hbm4b:s3+s12] =	stream.indirect.scatter [tilespmem:s17], [sflag:$0x2], $0x40, s29, s12, $0xb8;
	[tilespmem:$0x13580] =	vst v63  }
0x83: {  	s31 =	simm.s32 $0xF00  }
0x84: {  	[hbm4b:s3+s12] =	stream.indirect.scatter [tilespmem:s19], [sflag:$0x2], $0x40, s31, s12, $0xb8;
	[tilespmem:$0x13580] =	vst v63  }
0x85: {  	s29 =	simm.s32 $0xF80  }
0x86: {  	[hbm4b:s3+s12] =	stream.indirect.scatter [tilespmem:s21], [sflag:$0x2], $0x40, s29, s12, $0xb8;
	[tilespmem:$0x13580] =	vst v63  }
0x87: {  	_ =	swait.ge [sflag:s23], $0x2000  }
0x88: {  	[sflag:s23] =	ssyncset.done $0x0  }
0x89: {  	[sflag:s23] =	ssyncadd.s32 $0xFFFFE000  }
0x8a: {  	_ =	swait.ge [sflag:s23], $0x2000  }
0x8b: {  	[sflag:s23] =	ssyncset.done $0x0  }
0x8c: {  	[sflag:s23] =	ssyncadd.s32 $0xFFFFE000  }
0x8d: {  	_ =	swait.ge [sflag:s23], $0x2000  }
0x8e: {  	[sflag:s23] =	ssyncset.done $0x0  }
0x8f: {  	[sflag:s23] =	ssyncadd.s32 $0xFFFFE000  }
0x90: {  	_ =	swait.ge [sflag:s23], $0x2000  }
0x91: {  	[sflag:s23] =	ssyncset.done $0x0  }
0x92: {  	s31 =	simm.s32 $0x600;
	[sflag:s23] =	ssyncadd.s32 $0xFFFFE000  }
0x93: {  	[tilespmem:s28], [sflag:$0x1] =	stream.indirect.gather [hbm4b:s1+s12], $0x40, s31, s12, $0xb8;
	[tilespmem:$0x13580] =	vst v63  }
0x94: {  	s29 =	simm.s32 $0x680  }
0x95: {  	[tilespmem:s30], [sflag:$0x1] =	stream.indirect.gather [hbm4b:s1+s12], $0x40, s29, s12, $0xb8;
	[tilespmem:$0x13580] =	vst v63  }
0x96: {  	s31 =	simm.s32 $0x700  }
0x97: {  	[tilespmem:s2], [sflag:$0x1] =	stream.indirect.gather [hbm4b:s1+s12], $0x40, s31, s12, $0xb8;
	[tilespmem:$0x13580] =	vst v63  }
0x98: {  	s29 =	simm.s32 $0x780  }
0x99: {  	[tilespmem:s14], [sflag:$0x1] =	stream.indirect.gather [hbm4b:s1+s12], $0x40, s29, s12, $0xb8;
	[tilespmem:$0x13580] =	vst v63  }
0x9a: {  	_ =	swait.ge [sflag:s22], $0x2000  }
0x9b: {  	[sflag:s22] =	ssyncset.done $0x0  }
0x9c: {  	[sflag:s22] =	ssyncadd.s32 $0xFFFFE000  }
0x9d: {  	_ =	swait.ge [sflag:s22], $0x2000  }
0x9e: {  	[sflag:s22] =	ssyncset.done $0x0  }
0x9f: {  	[sflag:s22] =	ssyncadd.s32 $0xFFFFE000  }
0xa0: {  	_ =	swait.ge [sflag:s22], $0x2000  }
0xa1: {  	[sflag:s22] =	ssyncset.done $0x0  }
0xa2: {  	[sflag:s22] =	ssyncadd.s32 $0xFFFFE000  }
0xa3: {  	_ =	swait.ge [sflag:s22], $0x2000  }
0xa4: {  	[sflag:s22] =	ssyncset.done $0x0  }
0xa5: {  	s31 =	simm.s32 $0x1000;
	[sflag:s22] =	ssyncadd.s32 $0xFFFFE000  }
0xa6: {  	[hbm4b:s3+s12] =	stream.indirect.scatter [tilespmem:s28], [sflag:$0x3], $0x40, s31, s12, $0xb8;
	[tilespmem:$0x13580] =	vst v63  }
0xa7: {  	s29 =	simm.s32 $0x1080  }
0xa8: {  	[hbm4b:s3+s12] =	stream.indirect.scatter [tilespmem:s30], [sflag:$0x3], $0x40, s29, s12, $0xb8;
	[tilespmem:$0x13580] =	vst v63  }
0xa9: {  	s31 =	simm.s32 $0x1100  }
0xaa: {  	[hbm4b:s3+s12] =	stream.indirect.scatter [tilespmem:s2], [sflag:$0x3], $0x40, s31, s12, $0xb8;
	[tilespmem:$0x13580] =	vst v63  }
0xab: {  	s29 =	simm.s32 $0x1180  }
0xac: {  	[hbm4b:s3+s12] =	stream.indirect.scatter [tilespmem:s14], [sflag:$0x3], $0x40, s29, s12, $0xb8;
	[tilespmem:$0x13580] =	vst v63  }
0xad: {  	_ =	swait.ge [sflag:s24], $0x2000  }
0xae: {  	[sflag:s24] =	ssyncset.done $0x0  }
0xaf: {  	[sflag:s24] =	ssyncadd.s32 $0xFFFFE000  }
0xb0: {  	_ =	swait.ge [sflag:s24], $0x2000  }
0xb1: {  	[sflag:s24] =	ssyncset.done $0x0  }
0xb2: {  	[sflag:s24] =	ssyncadd.s32 $0xFFFFE000  }
0xb3: {  	_ =	swait.ge [sflag:s24], $0x2000  }
0xb4: {  	[sflag:s24] =	ssyncset.done $0x0  }
0xb5: {  	[sflag:s24] =	ssyncadd.s32 $0xFFFFE000  }
0xb6: {  	_ =	swait.ge [sflag:s24], $0x2000  }
0xb7: {  	[sflag:s24] =	ssyncset.done $0x0  }
0xb8: {  	s31 =	simm.s32 $0x800;
	[sflag:s24] =	ssyncadd.s32 $0xFFFFE000  }
0xb9: {  	[tilespmem:s16], [sflag:$0x1] =	stream.indirect.gather [hbm4b:s1+s12], $0x40, s31, s12, $0xb8;
	[tilespmem:$0x13580] =	vst v63  }
0xba: {  	s29 =	simm.s32 $0x880  }
0xbb: {  	[tilespmem:s17], [sflag:$0x1] =	stream.indirect.gather [hbm4b:s1+s12], $0x40, s29, s12, $0xb8;
	[tilespmem:$0x13580] =	vst v63  }
0xbc: {  	s31 =	simm.s32 $0x900  }
0xbd: {  	[tilespmem:s19], [sflag:$0x1] =	stream.indirect.gather [hbm4b:s1+s12], $0x40, s31, s12, $0xb8;
	[tilespmem:$0x13580] =	vst v63  }
0xbe: {  	s29 =	simm.s32 $0x980  }
0xbf: {  	[tilespmem:s21], [sflag:$0x1] =	stream.indirect.gather [hbm4b:s1+s12], $0x40, s29, s12, $0xb8;
	[tilespmem:$0x13580] =	vst v63  }
0xc0: {  	_ =	swait.ge [sflag:s22], $0x2000  }
0xc1: {  	[sflag:s22] =	ssyncset.done $0x0  }
0xc2: {  	[sflag:s22] =	ssyncadd.s32 $0xFFFFE000  }
0xc3: {  	_ =	swait.ge [sflag:s22], $0x2000  }
0xc4: {  	[sflag:s22] =	ssyncset.done $0x0  }
0xc5: {  	[sflag:s22] =	ssyncadd.s32 $0xFFFFE000  }
0xc6: {  	_ =	swait.ge [sflag:s22], $0x2000  }
0xc7: {  	[sflag:s22] =	ssyncset.done $0x0  }
0xc8: {  	[sflag:s22] =	ssyncadd.s32 $0xFFFFE000  }
0xc9: {  	_ =	swait.ge [sflag:s22], $0x2000  }
0xca: {  	[sflag:s22] =	ssyncset.done $0x0  }
0xcb: {  	s31 =	simm.s32 $0x1200;
	[sflag:s22] =	ssyncadd.s32 $0xFFFFE000  }
0xcc: {  	[hbm4b:s3+s12] =	stream.indirect.scatter [tilespmem:s16], [sflag:$0x2], $0x40, s31, s12, $0xb8;
	[tilespmem:$0x13580] =	vst v63  }
0xcd: {  	_ = 	snop  }
0xce: {  	[hbm4b:s3+s12] =	stream.indirect.scatter [tilespmem:s17], [sflag:$0x2], $0x40, s15, s12, $0xb8;
	[tilespmem:$0x13580] =	vst v63  }
0xcf: {  	_ = 	snop  }
0xd0: {  	[hbm4b:s3+s12] =	stream.indirect.scatter [tilespmem:s19], [sflag:$0x2], $0x40, s18, s12, $0xb8;
	[tilespmem:$0x13580] =	vst v63  }
0xd1: {  	_ = 	snop  }
0xd2: {  	[hbm4b:s3+s12] =	stream.indirect.scatter [tilespmem:s21], [sflag:$0x2], $0x40, s20, s12, $0xb8;
	[tilespmem:$0x13580] =	vst v63  }
0xd3: {  	_ =	swait.ge [sflag:s24], $0x2000  }
0xd4: {  	[sflag:s24] =	ssyncset.done $0x0  }
0xd5: {  	[sflag:s24] =	ssyncadd.s32 $0xFFFFE000  }
0xd6: {  	_ =	swait.ge [sflag:s24], $0x2000  }
0xd7: {  	[sflag:s24] =	ssyncset.done $0x0  }
0xd8: {  	[sflag:s24] =	ssyncadd.s32 $0xFFFFE000  }
0xd9: {  	_ =	swait.ge [sflag:s24], $0x2000  }
0xda: {  	[sflag:s24] =	ssyncset.done $0x0  }
0xdb: {  	[sflag:s24] =	ssyncadd.s32 $0xFFFFE000  }
0xdc: {  	_ =	swait.ge [sflag:s24], $0x2000  }
0xdd: {  	[sflag:s24] =	ssyncset.done $0x0  }
0xde: {  	[sflag:s24] =	ssyncadd.s32 $0xFFFFE000  }
0xdf: {  	_ =	swait.ge [sflag:s23], $0x2000  }
0xe0: {  	[sflag:s23] =	ssyncset.done $0x0  }
0xe1: {  	[sflag:s23] =	ssyncadd.s32 $0xFFFFE000  }
0xe2: {  	_ =	swait.ge [sflag:s23], $0x2000  }
0xe3: {  	[sflag:s23] =	ssyncset.done $0x0  }
0xe4: {  	[sflag:s23] =	ssyncadd.s32 $0xFFFFE000  }
0xe5: {  	_ =	swait.ge [sflag:s23], $0x2000  }
0xe6: {  	[sflag:s23] =	ssyncset.done $0x0  }
0xe7: {  	[sflag:s23] =	ssyncadd.s32 $0xFFFFE000  }
0xe8: {  	_ =	swait.ge [sflag:s23], $0x2000  }
0xe9: {  	[sflag:s23] =	ssyncset.done $0x0  }
0xea: {  	[sflag:s23] =	ssyncadd.s32 $0xFFFFE000  }
0xeb: {  	_ =	swait.ge [sflag:s25], $0x2000  }
0xec: {  	[sflag:s25] =	ssyncset.done $0x0  }
0xed: {  	s26 =	sadd.s32 $0x1, s26;
	[sflag:s25] =	ssyncadd.s32 $0xFFFFE000  }
0xee: {  	p0 =	sne.s32 s26, s8;
	_ =	swait.ge [sflag:s25], $0x2000  }
.Ltmp1:
0xef: {  	[sflag:s25] =	ssyncset.done $0x0;
	(pc) =	sbr.rel @p0 .LBB2_1-.Ltmp1, $4  }
0xf0: {  	[sflag:s25] =	ssyncadd.s32 $0xFFFFE000  }
0xf1: {  	_ =	swait.ge [sflag:s25], $0x2000  }
0xf2: {  	[sflag:s25] =	ssyncset.done $0x0  }
0xf3: {  	[sflag:s25] =	ssyncadd.s32 $0xFFFFE000  }
0xf4: {  	_ =	sfence.sel $0x180000  }
0xf5: {  	[bflag:$0x0] =	sbarrier.arrive $0xFFFF  }
0xf6: {  	_ =	strace $0x90000047  }
0xf7: {  	s0 =	stileid.u32;
	[bflag:$0x2] =	sbarrier.arrive $0xFFFF  }
0xf8: {  	p0 =	sne.s32 s0, $0x0;
	s0 =	rddreg [dreg:$0x4]  }
0xf9: {  	s0 =	sadd.s32 @!p0 $0x100000, s0  }
0xfa: {  	[sflag:s0] =	ssyncadd.tile.s32 @!p0 $0x1;
	_ =	shalt  }
.Lfunc_end2:
_tile_overlayer_lowered:
.L_overlay_start_2:
0xfb: {  	(tag) =	ssettag $0x2  }
0xfc: {  	s0 =	rddreg [dreg:$0x0];
	s2 =	stileid.u32  }
0xfd: {  	s1 =	rddreg [dreg:$0x1];
	p0 =	sne.s32 s2, $0x0  }
0xfe: {  	s3 =	rddreg [dreg:$0x2];
	[bflag:$0x3] =	sbarrier.arrive $0xFFFF;
	s2 =	simm.s32 @!p0 $0x1C05  }
0xff: {  	[timem:s3], [sflag:s2] =	dma.local @!p0 [hbm:s0], s1  }
0x100: {  	s0 =	simm.s32 @!p0 $0x5  }
0x101: {  	_ =	swait.ge @!p0 [sflag:s0], s1  }
0x102: {  	s1 =	ssub.s32 @!p0 $0x0, s1;
	[sflag:s0] =	ssyncset.done @!p0 $0x0  }
0x103: {  	[sflag:s0] =	ssyncadd.s32 @!p0 s1  }
0x104: {  	[bflag:$0x3] =	sbarrier.arrive $0xFFFF  }
0x105: {  	_ =	shalt  }

</sc_bundles>
